<compile_context>
chip_gen: v7x
topology: tpu7x:2x2x1
jax: 0.10.2.dev20260603
libtpu: 0.0.44.dev20260713+nightly
codegen_flags: <defaults>
</compile_context>

<pallas_src>
import functools

import jax
import jax.numpy as jnp
from jax import lax
from jax.experimental import pallas as pl
from jax.experimental.pallas import tpu as pltpu
from jax.experimental.pallas import tpu_sc as plsc

_NC = 2
_NS = 16
_L = 16
_NW = _NC * _NS
_ROW = 128


@functools.partial(jax.jit, static_argnums=(4, 5))
def _sc_mask(edge_index, gids, starts2d, zeros_hbm, n_nodes, n_edges):
    epw = n_edges // _NW
    npc = n_nodes // _NS
    nrows = npc // _ROW
    mesh = plsc.VectorSubcoreMesh(core_axis_name="c", subcore_axis_name="s")

    @functools.partial(
        pl.kernel,
        mesh=mesh,
        compiler_params=pltpu.CompilerParams(needs_layout_passes=False),
        out_type=jax.ShapeDtypeStruct((n_edges,), jnp.int32),
        scratch_types=[
            pltpu.VMEM((n_nodes,), jnp.int32),
            pltpu.VMEM((n_nodes,), jnp.int32),
            pltpu.VMEM((epw,), jnp.int32),
            pltpu.VMEM((epw,), jnp.int32),
            pltpu.VMEM((epw,), jnp.int32),
            pltpu.VMEM((nrows, _ROW), jnp.int32),
            pltpu.VMEM((_ROW,), jnp.int32),
            pltpu.VMEM_SHARED((n_nodes,), jnp.int32),
            pltpu.VMEM_SHARED((n_nodes,), jnp.int32),
            pltpu.SemaphoreType.DMA,
            pltpu.SemaphoreType.DMA,
            pltpu.SemaphoreType.DMA,
        ],
    )
    def k(edge_hbm, gids_hbm, starts_hbm, z_hbm, out_hbm,
          start_tab, gid_tab, h_v, t_v, o_v, idx2, ones_v,
          start_sp, gid_sp, sem, sem2, sem3):
        cid = lax.axis_index("c")
        sid = lax.axis_index("s")
        wid = sid * _NC + cid
        base = wid * epw

        cp_h = pltpu.make_async_copy(edge_hbm.at[0, pl.ds(base, epw)], h_v, sem)
        cp_h.start()
        cp_t = pltpu.make_async_copy(edge_hbm.at[1, pl.ds(base, epw)], t_v, sem)
        cp_t.start()

        soff = sid * npc
        st0 = pltpu.async_copy(z_hbm.at[pl.ds(soff, npc)],
                               start_sp.at[pl.ds(soff, npc)], sem2)
        st1 = pltpu.async_copy(gids_hbm.at[pl.ds(soff, npc)],
                               gid_sp.at[pl.ds(soff, npc)], sem2)
        st2 = pltpu.async_copy(starts_hbm.at[pl.ds(sid * nrows, nrows), :],
                               idx2, sem2)
        ones = jnp.full((_L,), 1, jnp.int32)
        for j in range(_ROW // _L):
            ones_v[pl.ds(j * _L, _L)] = ones
        st0.wait()
        st1.wait()
        st2.wait()

        plsc.subcore_barrier()
        gb = pltpu.make_async_copy(gid_sp, gid_tab, sem3)
        gb.start()
        scats = [
            pltpu.async_copy(ones_v, start_sp.at[idx2.at[j]], sem2, add=True)
            for j in range(nrows)
        ]
        for s in scats:
            s.wait()
        plsc.subcore_barrier()

        sb = pltpu.make_async_copy(start_sp, start_tab, sem2)
        sb.start()
        cp_h.wait()
        cp_t.wait()
        gb.wait()
        sb.wait()

        zeros = jnp.zeros((_L,), jnp.int32)
        onesl = jnp.full((_L,), 1, jnp.int32)
        neg1 = jnp.full((_L,), -1, jnp.int32)

        @plsc.parallel_loop(0, epw // _L, step=1, unroll=8)
        def edge_body(i):
            off = i * _L
            h = h_v[pl.ds(off, _L)]
            t = t_v[pl.ds(off, _L)]
            s = plsc.load_gather(start_tab, [h])
            g = plsc.load_gather(gid_tab, [t])
            m = (s != zeros) & (g != neg1)
            o_v[pl.ds(off, _L)] = jnp.where(m, onesl, zeros)

        pltpu.sync_copy(o_v, out_hbm.at[pl.ds(base, epw)])

    return k(edge_index, gids, starts2d, zeros_hbm)


def kernel(edge_index, edge_batch, node_global_ids, node_ptr, edge_ptr,
           start_node_locals, start_ptr, start_entity_ids, start_entity_ptr,
           answer_node_locals, answer_ptr, answer_entity_ids,
           edge_relations, edge_labels, is_answer_reachable):
    n_edges = edge_index.shape[1]
    n_nodes = node_global_ids.shape[0]
    ei = edge_index.astype(jnp.int32)
    gids = node_global_ids.astype(jnp.int32)
    starts2d = start_node_locals.astype(jnp.int32).reshape(-1, _ROW)
    zeros_hbm = jnp.zeros((n_nodes,), jnp.int32)
    out = _sc_mask(ei, gids, starts2d, zeros_hbm, n_nodes, n_edges)
    return out != 0

# --- scband reference (transcript-rebuilt; emitter-appended) ---
"""Pipeline reference for scband-graph-env-41016937677177 (READ-ONLY COPY).

The authoritative reference and input builder live on the scoring server;
editing this copy changes nothing except your own understanding.
"""

import jax, jax.numpy as jnp
import numpy as np

MAX_STEPS = 10
FORBID_BACKTRACK = True
FORBID_REVISIT = True

N_NODES = 32768
N_EDGES = 524288
NUM_GRAPHS = 32768


def setup_inputs(seed: int = 0) -> dict:
    key = jax.random.key(seed)
    ks = jax.random.split(key, 10)
    inp = {}
    inp['edge_index'] = jax.random.randint(ks[0], (2, N_EDGES), 0, N_NODES)
    inp['edge_batch'] = jnp.sort(jax.random.randint(ks[1], (N_EDGES,), 0, NUM_GRAPHS))
    inp['node_global_ids'] = jax.random.randint(ks[2], (N_NODES,), 0, 1000000)
    inp['node_ptr'] = jnp.arange(N_NODES + 1)
    inp['edge_ptr'] = jnp.sort(jax.random.randint(ks[3], (NUM_GRAPHS + 1,), 0, N_EDGES))
    inp['start_node_locals'] = jnp.arange(N_NODES)
    inp['start_ptr'] = jnp.arange(NUM_GRAPHS + 1)
    inp['start_entity_ids'] = jax.random.randint(ks[4], (N_NODES,), 0, 1000000)
    inp['start_entity_ptr'] = jnp.arange(NUM_GRAPHS + 1)
    inp['answer_node_locals'] = jax.random.randint(ks[5], (N_NODES,), 0, N_NODES)
    inp['answer_ptr'] = jnp.arange(NUM_GRAPHS + 1)
    inp['answer_entity_ids'] = jax.random.randint(ks[6], (N_NODES,), 0, 1000000)
    inp['edge_relations'] = jax.random.randint(ks[7], (N_EDGES,), 0, 500)
    inp['edge_labels'] = jax.random.uniform(ks[8], (N_EDGES,), dtype=jnp.float32)
    inp['is_answer_reachable'] = jnp.ones((NUM_GRAPHS,), dtype=bool)
    return inp


def reference(edge_index, edge_batch, node_global_ids, node_ptr, edge_ptr,
              start_node_locals, start_ptr, start_entity_ids, start_entity_ptr,
              answer_node_locals, answer_ptr, answer_entity_ids,
              edge_relations, edge_labels, is_answer_reachable):
    # --- GraphEnv.reset ---
    num_edges = edge_index.shape[1]
    num_graphs = node_ptr.shape[0] - 1
    num_nodes_total = node_ptr.shape[0] - 1
    heads_global = node_global_ids[edge_index[0]]
    tails_global = node_global_ids[edge_index[1]]
    node_is_start = jnp.zeros((num_nodes_total,), dtype=bool).at[start_node_locals].set(True)
    node_is_answer = jnp.zeros((num_nodes_total,), dtype=bool).at[answer_node_locals].set(True)
    edge_starts_mask = node_is_start[edge_index[0]]
    selected_mask = jnp.zeros((num_edges,), dtype=bool)
    visited_nodes = node_is_start
    current_tail = jnp.full((num_graphs,), -1, dtype=node_global_ids.dtype)
    prev_tail = jnp.full((num_graphs,), -1, dtype=node_global_ids.dtype)
    done = jnp.zeros((num_graphs,), dtype=bool)
    step_counts = jnp.zeros((num_graphs,), dtype=jnp.int32)
    # --- GraphEnv.action_mask_edges ---
    sc_e = step_counts[edge_batch]
    horizon_exhausted = sc_e >= MAX_STEPS
    is_step0 = sc_e == 0
    cur = current_tail[edge_batch]
    valid_next = heads_global == cur
    next_local = edge_index[1]
    allowed = jnp.where(is_step0, edge_starts_mask, valid_next)
    if FORBID_REVISIT:
        allowed = allowed & (is_step0 | ~visited_nodes[next_local])
    if FORBID_BACKTRACK:
        allowed = allowed & ~(tails_global == prev_tail[edge_batch])
    allowed = allowed & ~selected_mask & ~done[edge_batch] & ~horizon_exhausted
    return allowed

if __name__ == "__main__":
    import jax
    _d = setup_inputs()
    print(jax.jit(kernel)(*tuple(_d.values())))

</pallas_src>

<mosaic_0001>
#map = affine_map<(d0, d1) -> (0, 0)>
#map1 = affine_map<(d0, d1) -> (0)>
module attributes {stable_mosaic.version = 14 : i64} {
  func.func @k(%arg0: i32, %arg1: i32, %arg2: memref<2x524288xi32, #tpu.memory_space<hbm>>, %arg3: memref<32768xi32, #tpu.memory_space<hbm>>, %arg4: memref<256x128xi32, #tpu.memory_space<hbm>>, %arg5: memref<32768xi32, #tpu.memory_space<hbm>>, %arg6: memref<524288xi32, #tpu.memory_space<hbm>>, %arg7: memref<32768xi32, #tpu.memory_space<vmem>>, %arg8: memref<32768xi32, #tpu.memory_space<vmem>>, %arg9: memref<16384xi32, #tpu.memory_space<vmem>>, %arg10: memref<16384xi32, #tpu.memory_space<vmem>>, %arg11: memref<16384xi32, #tpu.memory_space<vmem>>, %arg12: memref<16x128xi32, #tpu.memory_space<vmem>>, %arg13: memref<128xi32, #tpu.memory_space<vmem>>, %arg14: memref<32768xi32, #tpu.memory_space<vmem_shared>>, %arg15: memref<32768xi32, #tpu.memory_space<vmem_shared>>, %arg16: memref<!tpu.dma_semaphore, #tpu.memory_space<semaphore_mem>>, %arg17: memref<!tpu.dma_semaphore, #tpu.memory_space<semaphore_mem>>, %arg18: memref<!tpu.dma_semaphore, #tpu.memory_space<semaphore_mem>>) attributes {dimension_semantics = [#tpu.dimension_semantics<core_parallel>, #tpu.dimension_semantics<subcore_parallel>], iteration_bounds = array<i64: 2, 16>, scalar_prefetch = 0 : i64, scratch_operands = 12 : i64, tpu.core_type = #tpu.core_type<sc_vector_subcore>, window_params = [{transform_indices = #map}, {transform_indices = #map1}, {transform_indices = #map}, {transform_indices = #map1}, {transform_indices = #map1}]} {
    %mul3A = arith.constant 2 : i32
    %mul3A_0 = arith.muli %arg1, %mul3A : i32
    %add3A = arith.addi %mul3A_0, %arg0 : i32
    %mul3A_1 = arith.constant 16384 : i32
    %mul3A_2 = arith.muli %add3A, %mul3A_1 : i32
    %dma_start3A = arith.constant 0 : i32
    %dma_start3A_3 = tpu.memref_slice %arg2[%dma_start3A, %mul3A_2] : memref<2x524288xi32, #tpu.memory_space<hbm>> -> memref<1x16384xi32, #tpu.memory_space<hbm>>
    %dma_start3A_4 = tpu.memref_squeeze %dma_start3A_3 : memref<1x16384xi32, #tpu.memory_space<hbm>> -> memref<16384xi32, #tpu.memory_space<hbm>>
    %dma_start3A_5 = tpu.memref_slice %arg2[%dma_start3A, %mul3A_2] : memref<2x524288xi32, #tpu.memory_space<hbm>> -> memref<1x16384xi32, #tpu.memory_space<hbm>>
    %dma_start3A_6 = tpu.memref_squeeze %dma_start3A_5 : memref<1x16384xi32, #tpu.memory_space<hbm>> -> memref<16384xi32, #tpu.memory_space<hbm>>
    tpu.enqueue_dma source(%dma_start3A_6 : memref<16384xi32, #tpu.memory_space<hbm>>) target(%arg9 : memref<16384xi32, #tpu.memory_space<vmem>>) target_semaphore(%arg16 : memref<!tpu.dma_semaphore, #tpu.memory_space<semaphore_mem>>)
    %dma_start3A_7 = arith.constant 1 : i32
    %dma_start3A_8 = tpu.memref_slice %arg2[%dma_start3A_7, %mul3A_2] : memref<2x524288xi32, #tpu.memory_space<hbm>> -> memref<1x16384xi32, #tpu.memory_space<hbm>>
    %dma_start3A_9 = tpu.memref_squeeze %dma_start3A_8 : memref<1x16384xi32, #tpu.memory_space<hbm>> -> memref<16384xi32, #tpu.memory_space<hbm>>
    %dma_start3A_10 = tpu.memref_slice %arg2[%dma_start3A_7, %mul3A_2] : memref<2x524288xi32, #tpu.memory_space<hbm>> -> memref<1x16384xi32, #tpu.memory_space<hbm>>
    %dma_start3A_11 = tpu.memref_squeeze %dma_start3A_10 : memref<1x16384xi32, #tpu.memory_space<hbm>> -> memref<16384xi32, #tpu.memory_space<hbm>>
    tpu.enqueue_dma source(%dma_start3A_11 : memref<16384xi32, #tpu.memory_space<hbm>>) target(%arg10 : memref<16384xi32, #tpu.memory_space<vmem>>) target_semaphore(%arg16 : memref<!tpu.dma_semaphore, #tpu.memory_space<semaphore_mem>>)
    %mul3A_12 = arith.constant 2048 : i32
    %mul3A_13 = arith.muli %arg1, %mul3A_12 : i32
    %dma_start3A_14 = tpu.memref_slice %arg14[%mul3A_13] : memref<32768xi32, #tpu.memory_space<vmem_shared>> -> memref<2048xi32, #tpu.memory_space<vmem_shared>>
    %dma_start3A_15 = tpu.memref_slice %arg5[%mul3A_13] : memref<32768xi32, #tpu.memory_space<hbm>> -> memref<2048xi32, #tpu.memory_space<hbm>>
    tpu.enqueue_dma source(%dma_start3A_15 : memref<2048xi32, #tpu.memory_space<hbm>>) target(%dma_start3A_14 : memref<2048xi32, #tpu.memory_space<vmem_shared>>) target_semaphore(%arg17 : memref<!tpu.dma_semaphore, #tpu.memory_space<semaphore_mem>>)
    %dma_start3A_16 = tpu.memref_slice %arg15[%mul3A_13] : memref<32768xi32, #tpu.memory_space<vmem_shared>> -> memref<2048xi32, #tpu.memory_space<vmem_shared>>
    %dma_start3A_17 = tpu.memref_slice %arg3[%mul3A_13] : memref<32768xi32, #tpu.memory_space<hbm>> -> memref<2048xi32, #tpu.memory_space<hbm>>
    tpu.enqueue_dma source(%dma_start3A_17 : memref<2048xi32, #tpu.memory_space<hbm>>) target(%dma_start3A_16 : memref<2048xi32, #tpu.memory_space<vmem_shared>>) target_semaphore(%arg17 : memref<!tpu.dma_semaphore, #tpu.memory_space<semaphore_mem>>)
    %mul3A_18 = arith.constant 16 : i32
    %mul3A_19 = arith.muli %arg1, %mul3A_18 : i32
    %dma_start3A_20 = arith.constant 0 : i32
    %dma_start3A_21 = tpu.memref_slice %arg4[%mul3A_19, %dma_start3A_20] : memref<256x128xi32, #tpu.memory_space<hbm>> -> memref<16x128xi32, #tpu.memory_space<hbm>>
    %dma_start3A_22 = arith.constant 0 : i32
    %dma_start3A_23 = tpu.memref_slice %arg4[%mul3A_19, %dma_start3A_22] : memref<256x128xi32, #tpu.memory_space<hbm>> -> memref<16x128xi32, #tpu.memory_space<hbm>>
    tpu.enqueue_dma source(%dma_start3A_23 : memref<16x128xi32, #tpu.memory_space<hbm>>) target(%arg12 : memref<16x128xi32, #tpu.memory_space<vmem>>) target_semaphore(%arg17 : memref<!tpu.dma_semaphore, #tpu.memory_space<semaphore_mem>>)
    %broadcast_in_dim3A = arith.constant 1 : i32
    %broadcast_in_dim3A_24 = vector.broadcast %broadcast_in_dim3A : i32 to vector<16xi32>
    %swap3A = arith.constant 0 : index
    %swap3A_25 = tpu.vector_load %arg13[%swap3A] {strides = array<i32>} : memref<128xi32, #tpu.memory_space<vmem>>, vector<16xi32>,
    tpu.vector_store %arg13[%swap3A], %broadcast_in_dim3A_24 {strides = array<i32>} : memref<128xi32, #tpu.memory_space<vmem>>, vector<16xi32>,
    %swap3A_26 = arith.constant 16 : index
    %swap3A_27 = tpu.vector_load %arg13[%swap3A_26] {strides = array<i32>} : memref<128xi32, #tpu.memory_space<vmem>>, vector<16xi32>,
    tpu.vector_store %arg13[%swap3A_26], %broadcast_in_dim3A_24 {strides = array<i32>} : memref<128xi32, #tpu.memory_space<vmem>>, vector<16xi32>,
    %swap3A_28 = arith.constant 32 : index
    %swap3A_29 = tpu.vector_load %arg13[%swap3A_28] {strides = array<i32>} : memref<128xi32, #tpu.memory_space<vmem>>, vector<16xi32>,
    tpu.vector_store %arg13[%swap3A_28], %broadcast_in_dim3A_24 {strides = array<i32>} : memref<128xi32, #tpu.memory_space<vmem>>, vector<16xi32>,
    %swap3A_30 = arith.constant 48 : index
    %swap3A_31 = tpu.vector_load %arg13[%swap3A_30] {strides = array<i32>} : memref<128xi32, #tpu.memory_space<vmem>>, vector<16xi32>,
    tpu.vector_store %arg13[%swap3A_30], %broadcast_in_dim3A_24 {strides = array<i32>} : memref<128xi32, #tpu.memory_space<vmem>>, vector<16xi32>,
    %swap3A_32 = arith.constant 64 : index
    %swap3A_33 = tpu.vector_load %arg13[%swap3A_32] {strides = array<i32>} : memref<128xi32, #tpu.memory_space<vmem>>, vector<16xi32>,
    tpu.vector_store %arg13[%swap3A_32], %broadcast_in_dim3A_24 {strides = array<i32>} : memref<128xi32, #tpu.memory_space<vmem>>, vector<16xi32>,
    %swap3A_34 = arith.constant 80 : index
    %swap3A_35 = tpu.vector_load %arg13[%swap3A_34] {strides = array<i32>} : memref<128xi32, #tpu.memory_space<vmem>>, vector<16xi32>,
    tpu.vector_store %arg13[%swap3A_34], %broadcast_in_dim3A_24 {strides = array<i32>} : memref<128xi32, #tpu.memory_space<vmem>>, vector<16xi32>,
    %swap3A_36 = arith.constant 96 : index
    %swap3A_37 = tpu.vector_load %arg13[%swap3A_36] {strides = array<i32>} : memref<128xi32, #tpu.memory_space<vmem>>, vector<16xi32>,
    tpu.vector_store %arg13[%swap3A_36], %broadcast_in_dim3A_24 {strides = array<i32>} : memref<128xi32, #tpu.memory_space<vmem>>, vector<16xi32>,
    %swap3A_38 = arith.constant 112 : index
    %swap3A_39 = tpu.vector_load %arg13[%swap3A_38] {strides = array<i32>} : memref<128xi32, #tpu.memory_space<vmem>>, vector<16xi32>,
    tpu.vector_store %arg13[%swap3A_38], %broadcast_in_dim3A_24 {strides = array<i32>} : memref<128xi32, #tpu.memory_space<vmem>>, vector<16xi32>,
    %dma_wait3A = tpu.memref_slice %arg14[%mul3A_13] : memref<32768xi32, #tpu.memory_space<vmem_shared>> -> memref<2048xi32, #tpu.memory_space<vmem_shared>>
    %dma_wait3A_40 = tpu.memref_slice %arg5[%mul3A_13] : memref<32768xi32, #tpu.memory_space<hbm>> -> memref<2048xi32, #tpu.memory_space<hbm>>
    tpu.wait_dma2 semaphore(%arg17 : memref<!tpu.dma_semaphore, #tpu.memory_space<semaphore_mem>>) src(%dma_wait3A_40 : memref<2048xi32, #tpu.memory_space<hbm>>) dst(%dma_wait3A : memref<2048xi32, #tpu.memory_space<vmem_shared>>)
    %dma_wait3A_41 = tpu.memref_slice %arg15[%mul3A_13] : memref<32768xi32, #tpu.memory_space<vmem_shared>> -> memref<2048xi32, #tpu.memory_space<vmem_shared>>
    %dma_wait3A_42 = tpu.memref_slice %arg3[%mul3A_13] : memref<32768xi32, #tpu.memory_space<hbm>> -> memref<2048xi32, #tpu.memory_space<hbm>>
    tpu.wait_dma2 semaphore(%arg17 : memref<!tpu.dma_semaphore, #tpu.memory_space<semaphore_mem>>) src(%dma_wait3A_42 : memref<2048xi32, #tpu.memory_space<hbm>>) dst(%dma_wait3A_41 : memref<2048xi32, #tpu.memory_space<vmem_shared>>)
    %dma_wait3A_43 = arith.constant 0 : i32
    %dma_wait3A_44 = tpu.memref_slice %arg4[%mul3A_19, %dma_wait3A_43] : memref<256x128xi32, #tpu.memory_space<hbm>> -> memref<16x128xi32, #tpu.memory_space<hbm>>
    %dma_wait3A_45 = arith.constant 0 : i32
    %dma_wait3A_46 = tpu.memref_slice %arg4[%mul3A_19, %dma_wait3A_45] : memref<256x128xi32, #tpu.memory_space<hbm>> -> memref<16x128xi32, #tpu.memory_space<hbm>>
    tpu.wait_dma2 semaphore(%arg17 : memref<!tpu.dma_semaphore, #tpu.memory_space<semaphore_mem>>) src(%dma_wait3A_46 : memref<16x128xi32, #tpu.memory_space<hbm>>) dst(%arg12 : memref<16x128xi32, #tpu.memory_space<vmem>>)
    %barrier3A = arith.constant 0 : index
    tpu.barrier barrier_id(%barrier3A)
    tpu.enqueue_dma source(%arg15 : memref<32768xi32, #tpu.memory_space<vmem_shared>>) target(%arg8 : memref<32768xi32, #tpu.memory_space<vmem>>) target_semaphore(%arg18 : memref<!tpu.dma_semaphore, #tpu.memory_space<semaphore_mem>>)
    %dma_start3A_47 = arith.constant 0 : i32
    %dma_start3A_48 = arith.constant 0 : i32
    %dma_start3A_49 = tpu.memref_slice %arg12[%dma_start3A_47, %dma_start3A_48] : memref<16x128xi32, #tpu.memory_space<vmem>> -> memref<1x128xi32, #tpu.memory_space<vmem>>
    %dma_start3A_50 = tpu.memref_squeeze %dma_start3A_49 : memref<1x128xi32, #tpu.memory_space<vmem>> -> memref<128xi32, #tpu.memory_space<vmem>>
    %dma_start3A_51 = arith.constant 0 : i32
    %dma_start3A_52 = tpu.memref_slice %arg14[%dma_start3A_51] : memref<32768xi32, #tpu.memory_space<vmem_shared>> -> memref<32768xi32, #tpu.memory_space<vmem_shared>>
    tpu.enqueue_indirect_dma source(%arg13 : memref<128xi32, #tpu.memory_space<vmem>>) target(%dma_start3A_52 : memref<32768xi32, #tpu.memory_space<vmem_shared>>) offsets(%dma_start3A_50 : memref<128xi32, #tpu.memory_space<vmem>>) semaphore(%arg17 : memref<!tpu.dma_semaphore, #tpu.memory_space<semaphore_mem>>) {add = true}
    %dma_start3A_53 = arith.constant 1 : i32
    %dma_start3A_54 = arith.constant 0 : i32
    %dma_start3A_55 = tpu.memref_slice %arg12[%dma_start3A_53, %dma_start3A_54] : memref<16x128xi32, #tpu.memory_space<vmem>> -> memref<1x128xi32, #tpu.memory_space<vmem>>
    %dma_start3A_56 = tpu.memref_squeeze %dma_start3A_55 : memref<1x128xi32, #tpu.memory_space<vmem>> -> memref<128xi32, #tpu.memory_space<vmem>>
    %dma_start3A_57 = arith.constant 0 : i32
    %dma_start3A_58 = tpu.memref_slice %arg14[%dma_start3A_57] : memref<32768xi32, #tpu.memory_space<vmem_shared>> -> memref<32768xi32, #tpu.memory_space<vmem_shared>>
    tpu.enqueue_indirect_dma source(%arg13 : memref<128xi32, #tpu.memory_space<vmem>>) target(%dma_start3A_58 : memref<32768xi32, #tpu.memory_space<vmem_shared>>) offsets(%dma_start3A_56 : memref<128xi32, #tpu.memory_space<vmem>>) semaphore(%arg17 : memref<!tpu.dma_semaphore, #tpu.memory_space<semaphore_mem>>) {add = true}
    %dma_start3A_59 = arith.constant 2 : i32
    %dma_start3A_60 = arith.constant 0 : i32
    %dma_start3A_61 = tpu.memref_slice %arg12[%dma_start3A_59, %dma_start3A_60] : memref<16x128xi32, #tpu.memory_space<vmem>> -> memref<1x128xi32, #tpu.memory_space<vmem>>
    %dma_start3A_62 = tpu.memref_squeeze %dma_start3A_61 : memref<1x128xi32, #tpu.memory_space<vmem>> -> memref<128xi32, #tpu.memory_space<vmem>>
    %dma_start3A_63 = arith.constant 0 : i32
    %dma_start3A_64 = tpu.memref_slice %arg14[%dma_start3A_63] : memref<32768xi32, #tpu.memory_space<vmem_shared>> -> memref<32768xi32, #tpu.memory_space<vmem_shared>>
    tpu.enqueue_indirect_dma source(%arg13 : memref<128xi32, #tpu.memory_space<vmem>>) target(%dma_start3A_64 : memref<32768xi32, #tpu.memory_space<vmem_shared>>) offsets(%dma_start3A_62 : memref<128xi32, #tpu.memory_space<vmem>>) semaphore(%arg17 : memref<!tpu.dma_semaphore, #tpu.memory_space<semaphore_mem>>) {add = true}
    %dma_start3A_65 = arith.constant 3 : i32
    %dma_start3A_66 = arith.constant 0 : i32
    %dma_start3A_67 = tpu.memref_slice %arg12[%dma_start3A_65, %dma_start3A_66] : memref<16x128xi32, #tpu.memory_space<vmem>> -> memref<1x128xi32, #tpu.memory_space<vmem>>
    %dma_start3A_68 = tpu.memref_squeeze %dma_start3A_67 : memref<1x128xi32, #tpu.memory_space<vmem>> -> memref<128xi32, #tpu.memory_space<vmem>>
    %dma_start3A_69 = arith.constant 0 : i32
    %dma_start3A_70 = tpu.memref_slice %arg14[%dma_start3A_69] : memref<32768xi32, #tpu.memory_space<vmem_shared>> -> memref<32768xi32, #tpu.memory_space<vmem_shared>>
    tpu.enqueue_indirect_dma source(%arg13 : memref<128xi32, #tpu.memory_space<vmem>>) target(%dma_start3A_70 : memref<32768xi32, #tpu.memory_space<vmem_shared>>) offsets(%dma_start3A_68 : memref<128xi32, #tpu.memory_space<vmem>>) semaphore(%arg17 : memref<!tpu.dma_semaphore, #tpu.memory_space<semaphore_mem>>) {add = true}
    %dma_start3A_71 = arith.constant 4 : i32
    %dma_start3A_72 = arith.constant 0 : i32
    %dma_start3A_73 = tpu.memref_slice %arg12[%dma_start3A_71, %dma_start3A_72] : memref<16x128xi32, #tpu.memory_space<vmem>> -> memref<1x128xi32, #tpu.memory_space<vmem>>
    %dma_start3A_74 = tpu.memref_squeeze %dma_start3A_73 : memref<1x128xi32, #tpu.memory_space<vmem>> -> memref<128xi32, #tpu.memory_space<vmem>>
    %dma_start3A_75 = arith.constant 0 : i32
    %dma_start3A_76 = tpu.memref_slice %arg14[%dma_start3A_75] : memref<32768xi32, #tpu.memory_space<vmem_shared>> -> memref<32768xi32, #tpu.memory_space<vmem_shared>>
    tpu.enqueue_indirect_dma source(%arg13 : memref<128xi32, #tpu.memory_space<vmem>>) target(%dma_start3A_76 : memref<32768xi32, #tpu.memory_space<vmem_shared>>) offsets(%dma_start3A_74 : memref<128xi32, #tpu.memory_space<vmem>>) semaphore(%arg17 : memref<!tpu.dma_semaphore, #tpu.memory_space<semaphore_mem>>) {add = true}
    %dma_start3A_77 = arith.constant 5 : i32
    %dma_start3A_78 = arith.constant 0 : i32
    %dma_start3A_79 = tpu.memref_slice %arg12[%dma_start3A_77, %dma_start3A_78] : memref<16x128xi32, #tpu.memory_space<vmem>> -> memref<1x128xi32, #tpu.memory_space<vmem>>
    %dma_start3A_80 = tpu.memref_squeeze %dma_start3A_79 : memref<1x128xi32, #tpu.memory_space<vmem>> -> memref<128xi32, #tpu.memory_space<vmem>>
    %dma_start3A_81 = arith.constant 0 : i32
    %dma_start3A_82 = tpu.memref_slice %arg14[%dma_start3A_81] : memref<32768xi32, #tpu.memory_space<vmem_shared>> -> memref<32768xi32, #tpu.memory_space<vmem_shared>>
    tpu.enqueue_indirect_dma source(%arg13 : memref<128xi32, #tpu.memory_space<vmem>>) target(%dma_start3A_82 : memref<32768xi32, #tpu.memory_space<vmem_shared>>) offsets(%dma_start3A_80 : memref<128xi32, #tpu.memory_space<vmem>>) semaphore(%arg17 : memref<!tpu.dma_semaphore, #tpu.memory_space<semaphore_mem>>) {add = true}
    %dma_start3A_83 = arith.constant 6 : i32
    %dma_start3A_84 = arith.constant 0 : i32
    %dma_start3A_85 = tpu.memref_slice %arg12[%dma_start3A_83, %dma_start3A_84] : memref<16x128xi32, #tpu.memory_space<vmem>> -> memref<1x128xi32, #tpu.memory_space<vmem>>
    %dma_start3A_86 = tpu.memref_squeeze %dma_start3A_85 : memref<1x128xi32, #tpu.memory_space<vmem>> -> memref<128xi32, #tpu.memory_space<vmem>>
    %dma_start3A_87 = arith.constant 0 : i32
    %dma_start3A_88 = tpu.memref_slice %arg14[%dma_start3A_87] : memref<32768xi32, #tpu.memory_space<vmem_shared>> -> memref<32768xi32, #tpu.memory_space<vmem_shared>>
    tpu.enqueue_indirect_dma source(%arg13 : memref<128xi32, #tpu.memory_space<vmem>>) target(%dma_start3A_88 : memref<32768xi32, #tpu.memory_space<vmem_shared>>) offsets(%dma_start3A_86 : memref<128xi32, #tpu.memory_space<vmem>>) semaphore(%arg17 : memref<!tpu.dma_semaphore, #tpu.memory_space<semaphore_mem>>) {add = true}
    %dma_start3A_89 = arith.constant 7 : i32
    %dma_start3A_90 = arith.constant 0 : i32
    %dma_start3A_91 = tpu.memref_slice %arg12[%dma_start3A_89, %dma_start3A_90] : memref<16x128xi32, #tpu.memory_space<vmem>> -> memref<1x128xi32, #tpu.memory_space<vmem>>
    %dma_start3A_92 = tpu.memref_squeeze %dma_start3A_91 : memref<1x128xi32, #tpu.memory_space<vmem>> -> memref<128xi32, #tpu.memory_space<vmem>>
    %dma_start3A_93 = arith.constant 0 : i32
    %dma_start3A_94 = tpu.memref_slice %arg14[%dma_start3A_93] : memref<32768xi32, #tpu.memory_space<vmem_shared>> -> memref<32768xi32, #tpu.memory_space<vmem_shared>>
    tpu.enqueue_indirect_dma source(%arg13 : memref<128xi32, #tpu.memory_space<vmem>>) target(%dma_start3A_94 : memref<32768xi32, #tpu.memory_space<vmem_shared>>) offsets(%dma_start3A_92 : memref<128xi32, #tpu.memory_space<vmem>>) semaphore(%arg17 : memref<!tpu.dma_semaphore, #tpu.memory_space<semaphore_mem>>) {add = true}
    %dma_start3A_95 = arith.constant 8 : i32
    %dma_start3A_96 = arith.constant 0 : i32
    %dma_start3A_97 = tpu.memref_slice %arg12[%dma_start3A_95, %dma_start3A_96] : memref<16x128xi32, #tpu.memory_space<vmem>> -> memref<1x128xi32, #tpu.memory_space<vmem>>
    %dma_start3A_98 = tpu.memref_squeeze %dma_start3A_97 : memref<1x128xi32, #tpu.memory_space<vmem>> -> memref<128xi32, #tpu.memory_space<vmem>>
    %dma_start3A_99 = arith.constant 0 : i32
    %dma_start3A_100 = tpu.memref_slice %arg14[%dma_start3A_99] : memref<32768xi32, #tpu.memory_space<vmem_shared>> -> memref<32768xi32, #tpu.memory_space<vmem_shared>>
    tpu.enqueue_indirect_dma source(%arg13 : memref<128xi32, #tpu.memory_space<vmem>>) target(%dma_start3A_100 : memref<32768xi32, #tpu.memory_space<vmem_shared>>) offsets(%dma_start3A_98 : memref<128xi32, #tpu.memory_space<vmem>>) semaphore(%arg17 : memref<!tpu.dma_semaphore, #tpu.memory_space<semaphore_mem>>) {add = true}
    %dma_start3A_101 = arith.constant 9 : i32
    %dma_start3A_102 = arith.constant 0 : i32
    %dma_start3A_103 = tpu.memref_slice %arg12[%dma_start3A_101, %dma_start3A_102] : memref<16x128xi32, #tpu.memory_space<vmem>> -> memref<1x128xi32, #tpu.memory_space<vmem>>
    %dma_start3A_104 = tpu.memref_squeeze %dma_start3A_103 : memref<1x128xi32, #tpu.memory_space<vmem>> -> memref<128xi32, #tpu.memory_space<vmem>>
    %dma_start3A_105 = arith.constant 0 : i32
    %dma_start3A_106 = tpu.memref_slice %arg14[%dma_start3A_105] : memref<32768xi32, #tpu.memory_space<vmem_shared>> -> memref<32768xi32, #tpu.memory_space<vmem_shared>>
    tpu.enqueue_indirect_dma source(%arg13 : memref<128xi32, #tpu.memory_space<vmem>>) target(%dma_start3A_106 : memref<32768xi32, #tpu.memory_space<vmem_shared>>) offsets(%dma_start3A_104 : memref<128xi32, #tpu.memory_space<vmem>>) semaphore(%arg17 : memref<!tpu.dma_semaphore, #tpu.memory_space<semaphore_mem>>) {add = true}
    %dma_start3A_107 = arith.constant 10 : i32
    %dma_start3A_108 = arith.constant 0 : i32
    %dma_start3A_109 = tpu.memref_slice %arg12[%dma_start3A_107, %dma_start3A_108] : memref<16x128xi32, #tpu.memory_space<vmem>> -> memref<1x128xi32, #tpu.memory_space<vmem>>
    %dma_start3A_110 = tpu.memref_squeeze %dma_start3A_109 : memref<1x128xi32, #tpu.memory_space<vmem>> -> memref<128xi32, #tpu.memory_space<vmem>>
    %dma_start3A_111 = arith.constant 0 : i32
    %dma_start3A_112 = tpu.memref_slice %arg14[%dma_start3A_111] : memref<32768xi32, #tpu.memory_space<vmem_shared>> -> memref<32768xi32, #tpu.memory_space<vmem_shared>>
    tpu.enqueue_indirect_dma source(%arg13 : memref<128xi32, #tpu.memory_space<vmem>>) target(%dma_start3A_112 : memref<32768xi32, #tpu.memory_space<vmem_shared>>) offsets(%dma_start3A_110 : memref<128xi32, #tpu.memory_space<vmem>>) semaphore(%arg17 : memref<!tpu.dma_semaphore, #tpu.memory_space<semaphore_mem>>) {add = true}
    %dma_start3A_113 = arith.constant 11 : i32
    %dma_start3A_114 = arith.constant 0 : i32
    %dma_start3A_115 = tpu.memref_slice %arg12[%dma_start3A_113, %dma_start3A_114] : memref<16x128xi32, #tpu.memory_space<vmem>> -> memref<1x128xi32, #tpu.memory_space<vmem>>
    %dma_start3A_116 = tpu.memref_squeeze %dma_start3A_115 : memref<1x128xi32, #tpu.memory_space<vmem>> -> memref<128xi32, #tpu.memory_space<vmem>>
    %dma_start3A_117 = arith.constant 0 : i32
    %dma_start3A_118 = tpu.memref_slice %arg14[%dma_start3A_117] : memref<32768xi32, #tpu.memory_space<vmem_shared>> -> memref<32768xi32, #tpu.memory_space<vmem_shared>>
    tpu.enqueue_indirect_dma source(%arg13 : memref<128xi32, #tpu.memory_space<vmem>>) target(%dma_start3A_118 : memref<32768xi32, #tpu.memory_space<vmem_shared>>) offsets(%dma_start3A_116 : memref<128xi32, #tpu.memory_space<vmem>>) semaphore(%arg17 : memref<!tpu.dma_semaphore, #tpu.memory_space<semaphore_mem>>) {add = true}
    %dma_start3A_119 = arith.constant 12 : i32
    %dma_start3A_120 = arith.constant 0 : i32
    %dma_start3A_121 = tpu.memref_slice %arg12[%dma_start3A_119, %dma_start3A_120] : memref<16x128xi32, #tpu.memory_space<vmem>> -> memref<1x128xi32, #tpu.memory_space<vmem>>
    %dma_start3A_122 = tpu.memref_squeeze %dma_start3A_121 : memref<1x128xi32, #tpu.memory_space<vmem>> -> memref<128xi32, #tpu.memory_space<vmem>>
    %dma_start3A_123 = arith.constant 0 : i32
    %dma_start3A_124 = tpu.memref_slice %arg14[%dma_start3A_123] : memref<32768xi32, #tpu.memory_space<vmem_shared>> -> memref<32768xi32, #tpu.memory_space<vmem_shared>>
    tpu.enqueue_indirect_dma source(%arg13 : memref<128xi32, #tpu.memory_space<vmem>>) target(%dma_start3A_124 : memref<32768xi32, #tpu.memory_space<vmem_shared>>) offsets(%dma_start3A_122 : memref<128xi32, #tpu.memory_space<vmem>>) semaphore(%arg17 : memref<!tpu.dma_semaphore, #tpu.memory_space<semaphore_mem>>) {add = true}
    %dma_start3A_125 = arith.constant 13 : i32
    %dma_start3A_126 = arith.constant 0 : i32
    %dma_start3A_127 = tpu.memref_slice %arg12[%dma_start3A_125, %dma_start3A_126] : memref<16x128xi32, #tpu.memory_space<vmem>> -> memref<1x128xi32, #tpu.memory_space<vmem>>
    %dma_start3A_128 = tpu.memref_squeeze %dma_start3A_127 : memref<1x128xi32, #tpu.memory_space<vmem>> -> memref<128xi32, #tpu.memory_space<vmem>>
    %dma_start3A_129 = arith.constant 0 : i32
    %dma_start3A_130 = tpu.memref_slice %arg14[%dma_start3A_129] : memref<32768xi32, #tpu.memory_space<vmem_shared>> -> memref<32768xi32, #tpu.memory_space<vmem_shared>>
    tpu.enqueue_indirect_dma source(%arg13 : memref<128xi32, #tpu.memory_space<vmem>>) target(%dma_start3A_130 : memref<32768xi32, #tpu.memory_space<vmem_shared>>) offsets(%dma_start3A_128 : memref<128xi32, #tpu.memory_space<vmem>>) semaphore(%arg17 : memref<!tpu.dma_semaphore, #tpu.memory_space<semaphore_mem>>) {add = true}
    %dma_start3A_131 = arith.constant 14 : i32
    %dma_start3A_132 = arith.constant 0 : i32
    %dma_start3A_133 = tpu.memref_slice %arg12[%dma_start3A_131, %dma_start3A_132] : memref<16x128xi32, #tpu.memory_space<vmem>> -> memref<1x128xi32, #tpu.memory_space<vmem>>
    %dma_start3A_134 = tpu.memref_squeeze %dma_start3A_133 : memref<1x128xi32, #tpu.memory_space<vmem>> -> memref<128xi32, #tpu.memory_space<vmem>>
    %dma_start3A_135 = arith.constant 0 : i32
    %dma_start3A_136 = tpu.memref_slice %arg14[%dma_start3A_135] : memref<32768xi32, #tpu.memory_space<vmem_shared>> -> memref<32768xi32, #tpu.memory_space<vmem_shared>>
    tpu.enqueue_indirect_dma source(%arg13 : memref<128xi32, #tpu.memory_space<vmem>>) target(%dma_start3A_136 : memref<32768xi32, #tpu.memory_space<vmem_shared>>) offsets(%dma_start3A_134 : memref<128xi32, #tpu.memory_space<vmem>>) semaphore(%arg17 : memref<!tpu.dma_semaphore, #tpu.memory_space<semaphore_mem>>) {add = true}
    %dma_start3A_137 = arith.constant 15 : i32
    %dma_start3A_138 = arith.constant 0 : i32
    %dma_start3A_139 = tpu.memref_slice %arg12[%dma_start3A_137, %dma_start3A_138] : memref<16x128xi32, #tpu.memory_space<vmem>> -> memref<1x128xi32, #tpu.memory_space<vmem>>
    %dma_start3A_140 = tpu.memref_squeeze %dma_start3A_139 : memref<1x128xi32, #tpu.memory_space<vmem>> -> memref<128xi32, #tpu.memory_space<vmem>>
    %dma_start3A_141 = arith.constant 0 : i32
    %dma_start3A_142 = tpu.memref_slice %arg14[%dma_start3A_141] : memref<32768xi32, #tpu.memory_space<vmem_shared>> -> memref<32768xi32, #tpu.memory_space<vmem_shared>>
    tpu.enqueue_indirect_dma source(%arg13 : memref<128xi32, #tpu.memory_space<vmem>>) target(%dma_start3A_142 : memref<32768xi32, #tpu.memory_space<vmem_shared>>) offsets(%dma_start3A_140 : memref<128xi32, #tpu.memory_space<vmem>>) semaphore(%arg17 : memref<!tpu.dma_semaphore, #tpu.memory_space<semaphore_mem>>) {add = true}
    %dma_wait3A_143 = arith.constant 0 : i32
    %dma_wait3A_144 = arith.constant 0 : i32
    %dma_wait3A_145 = tpu.memref_slice %arg12[%dma_wait3A_143, %dma_wait3A_144] : memref<16x128xi32, #tpu.memory_space<vmem>> -> memref<1x128xi32, #tpu.memory_space<vmem>>
    %dma_wait3A_146 = tpu.memref_squeeze %dma_wait3A_145 : memref<1x128xi32, #tpu.memory_space<vmem>> -> memref<128xi32, #tpu.memory_space<vmem>>
    %dma_wait3A_147 = arith.constant 0 : i32
    %dma_wait3A_148 = tpu.memref_slice %arg14[%dma_wait3A_147] : memref<32768xi32, #tpu.memory_space<vmem_shared>> -> memref<32768xi32, #tpu.memory_space<vmem_shared>>
    tpu.wait_indirect_dma semaphore(%arg17 : memref<!tpu.dma_semaphore, #tpu.memory_space<semaphore_mem>>) src(%arg13 : memref<128xi32, #tpu.memory_space<vmem>>) dst(%dma_wait3A_148 : memref<32768xi32, #tpu.memory_space<vmem_shared>>)
    %dma_wait3A_149 = arith.constant 1 : i32
    %dma_wait3A_150 = arith.constant 0 : i32
    %dma_wait3A_151 = tpu.memref_slice %arg12[%dma_wait3A_149, %dma_wait3A_150] : memref<16x128xi32, #tpu.memory_space<vmem>> -> memref<1x128xi32, #tpu.memory_space<vmem>>
    %dma_wait3A_152 = tpu.memref_squeeze %dma_wait3A_151 : memref<1x128xi32, #tpu.memory_space<vmem>> -> memref<128xi32, #tpu.memory_space<vmem>>
    %dma_wait3A_153 = arith.constant 0 : i32
    %dma_wait3A_154 = tpu.memref_slice %arg14[%dma_wait3A_153] : memref<32768xi32, #tpu.memory_space<vmem_shared>> -> memref<32768xi32, #tpu.memory_space<vmem_shared>>
    tpu.wait_indirect_dma semaphore(%arg17 : memref<!tpu.dma_semaphore, #tpu.memory_space<semaphore_mem>>) src(%arg13 : memref<128xi32, #tpu.memory_space<vmem>>) dst(%dma_wait3A_154 : memref<32768xi32, #tpu.memory_space<vmem_shared>>)
    %dma_wait3A_155 = arith.constant 2 : i32
    %dma_wait3A_156 = arith.constant 0 : i32
    %dma_wait3A_157 = tpu.memref_slice %arg12[%dma_wait3A_155, %dma_wait3A_156] : memref<16x128xi32, #tpu.memory_space<vmem>> -> memref<1x128xi32, #tpu.memory_space<vmem>>
    %dma_wait3A_158 = tpu.memref_squeeze %dma_wait3A_157 : memref<1x128xi32, #tpu.memory_space<vmem>> -> memref<128xi32, #tpu.memory_space<vmem>>
    %dma_wait3A_159 = arith.constant 0 : i32
    %dma_wait3A_160 = tpu.memref_slice %arg14[%dma_wait3A_159] : memref<32768xi32, #tpu.memory_space<vmem_shared>> -> memref<32768xi32, #tpu.memory_space<vmem_shared>>
    tpu.wait_indirect_dma semaphore(%arg17 : memref<!tpu.dma_semaphore, #tpu.memory_space<semaphore_mem>>) src(%arg13 : memref<128xi32, #tpu.memory_space<vmem>>) dst(%dma_wait3A_160 : memref<32768xi32, #tpu.memory_space<vmem_shared>>)
    %dma_wait3A_161 = arith.constant 3 : i32
    %dma_wait3A_162 = arith.constant 0 : i32
    %dma_wait3A_163 = tpu.memref_slice %arg12[%dma_wait3A_161, %dma_wait3A_162] : memref<16x128xi32, #tpu.memory_space<vmem>> -> memref<1x128xi32, #tpu.memory_space<vmem>>
    %dma_wait3A_164 = tpu.memref_squeeze %dma_wait3A_163 : memref<1x128xi32, #tpu.memory_space<vmem>> -> memref<128xi32, #tpu.memory_space<vmem>>
    %dma_wait3A_165 = arith.constant 0 : i32
    %dma_wait3A_166 = tpu.memref_slice %arg14[%dma_wait3A_165] : memref<32768xi32, #tpu.memory_space<vmem_shared>> -> memref<32768xi32, #tpu.memory_space<vmem_shared>>
    tpu.wait_indirect_dma semaphore(%arg17 : memref<!tpu.dma_semaphore, #tpu.memory_space<semaphore_mem>>) src(%arg13 : memref<128xi32, #tpu.memory_space<vmem>>) dst(%dma_wait3A_166 : memref<32768xi32, #tpu.memory_space<vmem_shared>>)
    %dma_wait3A_167 = arith.constant 4 : i32
    %dma_wait3A_168 = arith.constant 0 : i32
    %dma_wait3A_169 = tpu.memref_slice %arg12[%dma_wait3A_167, %dma_wait3A_168] : memref<16x128xi32, #tpu.memory_space<vmem>> -> memref<1x128xi32, #tpu.memory_space<vmem>>
    %dma_wait3A_170 = tpu.memref_squeeze %dma_wait3A_169 : memref<1x128xi32, #tpu.memory_space<vmem>> -> memref<128xi32, #tpu.memory_space<vmem>>
    %dma_wait3A_171 = arith.constant 0 : i32
    %dma_wait3A_172 = tpu.memref_slice %arg14[%dma_wait3A_171] : memref<32768xi32, #tpu.memory_space<vmem_shared>> -> memref<32768xi32, #tpu.memory_space<vmem_shared>>
    tpu.wait_indirect_dma semaphore(%arg17 : memref<!tpu.dma_semaphore, #tpu.memory_space<semaphore_mem>>) src(%arg13 : memref<128xi32, #tpu.memory_space<vmem>>) dst(%dma_wait3A_172 : memref<32768xi32, #tpu.memory_space<vmem_shared>>)
    %dma_wait3A_173 = arith.constant 5 : i32
    %dma_wait3A_174 = arith.constant 0 : i32
    %dma_wait3A_175 = tpu.memref_slice %arg12[%dma_wait3A_173, %dma_wait3A_174] : memref<16x128xi32, #tpu.memory_space<vmem>> -> memref<1x128xi32, #tpu.memory_space<vmem>>
    %dma_wait3A_176 = tpu.memref_squeeze %dma_wait3A_175 : memref<1x128xi32, #tpu.memory_space<vmem>> -> memref<128xi32, #tpu.memory_space<vmem>>
    %dma_wait3A_177 = arith.constant 0 : i32
    %dma_wait3A_178 = tpu.memref_slice %arg14[%dma_wait3A_177] : memref<32768xi32, #tpu.memory_space<vmem_shared>> -> memref<32768xi32, #tpu.memory_space<vmem_shared>>
    tpu.wait_indirect_dma semaphore(%arg17 : memref<!tpu.dma_semaphore, #tpu.memory_space<semaphore_mem>>) src(%arg13 : memref<128xi32, #tpu.memory_space<vmem>>) dst(%dma_wait3A_178 : memref<32768xi32, #tpu.memory_space<vmem_shared>>)
    %dma_wait3A_179 = arith.constant 6 : i32
    %dma_wait3A_180 = arith.constant 0 : i32
    %dma_wait3A_181 = tpu.memref_slice %arg12[%dma_wait3A_179, %dma_wait3A_180] : memref<16x128xi32, #tpu.memory_space<vmem>> -> memref<1x128xi32, #tpu.memory_space<vmem>>
    %dma_wait3A_182 = tpu.memref_squeeze %dma_wait3A_181 : memref<1x128xi32, #tpu.memory_space<vmem>> -> memref<128xi32, #tpu.memory_space<vmem>>
    %dma_wait3A_183 = arith.constant 0 : i32
    %dma_wait3A_184 = tpu.memref_slice %arg14[%dma_wait3A_183] : memref<32768xi32, #tpu.memory_space<vmem_shared>> -> memref<32768xi32, #tpu.memory_space<vmem_shared>>
    tpu.wait_indirect_dma semaphore(%arg17 : memref<!tpu.dma_semaphore, #tpu.memory_space<semaphore_mem>>) src(%arg13 : memref<128xi32, #tpu.memory_space<vmem>>) dst(%dma_wait3A_184 : memref<32768xi32, #tpu.memory_space<vmem_shared>>)
    %dma_wait3A_185 = arith.constant 7 : i32
    %dma_wait3A_186 = arith.constant 0 : i32
    %dma_wait3A_187 = tpu.memref_slice %arg12[%dma_wait3A_185, %dma_wait3A_186] : memref<16x128xi32, #tpu.memory_space<vmem>> -> memref<1x128xi32, #tpu.memory_space<vmem>>
    %dma_wait3A_188 = tpu.memref_squeeze %dma_wait3A_187 : memref<1x128xi32, #tpu.memory_space<vmem>> -> memref<128xi32, #tpu.memory_space<vmem>>
    %dma_wait3A_189 = arith.constant 0 : i32
    %dma_wait3A_190 = tpu.memref_slice %arg14[%dma_wait3A_189] : memref<32768xi32, #tpu.memory_space<vmem_shared>> -> memref<32768xi32, #tpu.memory_space<vmem_shared>>
    tpu.wait_indirect_dma semaphore(%arg17 : memref<!tpu.dma_semaphore, #tpu.memory_space<semaphore_mem>>) src(%arg13 : memref<128xi32, #tpu.memory_space<vmem>>) dst(%dma_wait3A_190 : memref<32768xi32, #tpu.memory_space<vmem_shared>>)
    %dma_wait3A_191 = arith.constant 8 : i32
    %dma_wait3A_192 = arith.constant 0 : i32
    %dma_wait3A_193 = tpu.memref_slice %arg12[%dma_wait3A_191, %dma_wait3A_192] : memref<16x128xi32, #tpu.memory_space<vmem>> -> memref<1x128xi32, #tpu.memory_space<vmem>>
    %dma_wait3A_194 = tpu.memref_squeeze %dma_wait3A_193 : memref<1x128xi32, #tpu.memory_space<vmem>> -> memref<128xi32, #tpu.memory_space<vmem>>
    %dma_wait3A_195 = arith.constant 0 : i32
    %dma_wait3A_196 = tpu.memref_slice %arg14[%dma_wait3A_195] : memref<32768xi32, #tpu.memory_space<vmem_shared>> -> memref<32768xi32, #tpu.memory_space<vmem_shared>>
    tpu.wait_indirect_dma semaphore(%arg17 : memref<!tpu.dma_semaphore, #tpu.memory_space<semaphore_mem>>) src(%arg13 : memref<128xi32, #tpu.memory_space<vmem>>) dst(%dma_wait3A_196 : memref<32768xi32, #tpu.memory_space<vmem_shared>>)
    %dma_wait3A_197 = arith.constant 9 : i32
    %dma_wait3A_198 = arith.constant 0 : i32
    %dma_wait3A_199 = tpu.memref_slice %arg12[%dma_wait3A_197, %dma_wait3A_198] : memref<16x128xi32, #tpu.memory_space<vmem>> -> memref<1x128xi32, #tpu.memory_space<vmem>>
    %dma_wait3A_200 = tpu.memref_squeeze %dma_wait3A_199 : memref<1x128xi32, #tpu.memory_space<vmem>> -> memref<128xi32, #tpu.memory_space<vmem>>
    %dma_wait3A_201 = arith.constant 0 : i32
    %dma_wait3A_202 = tpu.memref_slice %arg14[%dma_wait3A_201] : memref<32768xi32, #tpu.memory_space<vmem_shared>> -> memref<32768xi32, #tpu.memory_space<vmem_shared>>
    tpu.wait_indirect_dma semaphore(%arg17 : memref<!tpu.dma_semaphore, #tpu.memory_space<semaphore_mem>>) src(%arg13 : memref<128xi32, #tpu.memory_space<vmem>>) dst(%dma_wait3A_202 : memref<32768xi32, #tpu.memory_space<vmem_shared>>)
    %dma_wait3A_203 = arith.constant 10 : i32
    %dma_wait3A_204 = arith.constant 0 : i32
    %dma_wait3A_205 = tpu.memref_slice %arg12[%dma_wait3A_203, %dma_wait3A_204] : memref<16x128xi32, #tpu.memory_space<vmem>> -> memref<1x128xi32, #tpu.memory_space<vmem>>
    %dma_wait3A_206 = tpu.memref_squeeze %dma_wait3A_205 : memref<1x128xi32, #tpu.memory_space<vmem>> -> memref<128xi32, #tpu.memory_space<vmem>>
    %dma_wait3A_207 = arith.constant 0 : i32
    %dma_wait3A_208 = tpu.memref_slice %arg14[%dma_wait3A_207] : memref<32768xi32, #tpu.memory_space<vmem_shared>> -> memref<32768xi32, #tpu.memory_space<vmem_shared>>
    tpu.wait_indirect_dma semaphore(%arg17 : memref<!tpu.dma_semaphore, #tpu.memory_space<semaphore_mem>>) src(%arg13 : memref<128xi32, #tpu.memory_space<vmem>>) dst(%dma_wait3A_208 : memref<32768xi32, #tpu.memory_space<vmem_shared>>)
    %dma_wait3A_209 = arith.constant 11 : i32
    %dma_wait3A_210 = arith.constant 0 : i32
    %dma_wait3A_211 = tpu.memref_slice %arg12[%dma_wait3A_209, %dma_wait3A_210] : memref<16x128xi32, #tpu.memory_space<vmem>> -> memref<1x128xi32, #tpu.memory_space<vmem>>
    %dma_wait3A_212 = tpu.memref_squeeze %dma_wait3A_211 : memref<1x128xi32, #tpu.memory_space<vmem>> -> memref<128xi32, #tpu.memory_space<vmem>>
    %dma_wait3A_213 = arith.constant 0 : i32
    %dma_wait3A_214 = tpu.memref_slice %arg14[%dma_wait3A_213] : memref<32768xi32, #tpu.memory_space<vmem_shared>> -> memref<32768xi32, #tpu.memory_space<vmem_shared>>
    tpu.wait_indirect_dma semaphore(%arg17 : memref<!tpu.dma_semaphore, #tpu.memory_space<semaphore_mem>>) src(%arg13 : memref<128xi32, #tpu.memory_space<vmem>>) dst(%dma_wait3A_214 : memref<32768xi32, #tpu.memory_space<vmem_shared>>)
    %dma_wait3A_215 = arith.constant 12 : i32
    %dma_wait3A_216 = arith.constant 0 : i32
    %dma_wait3A_217 = tpu.memref_slice %arg12[%dma_wait3A_215, %dma_wait3A_216] : memref<16x128xi32, #tpu.memory_space<vmem>> -> memref<1x128xi32, #tpu.memory_space<vmem>>
    %dma_wait3A_218 = tpu.memref_squeeze %dma_wait3A_217 : memref<1x128xi32, #tpu.memory_space<vmem>> -> memref<128xi32, #tpu.memory_space<vmem>>
    %dma_wait3A_219 = arith.constant 0 : i32
    %dma_wait3A_220 = tpu.memref_slice %arg14[%dma_wait3A_219] : memref<32768xi32, #tpu.memory_space<vmem_shared>> -> memref<32768xi32, #tpu.memory_space<vmem_shared>>
    tpu.wait_indirect_dma semaphore(%arg17 : memref<!tpu.dma_semaphore, #tpu.memory_space<semaphore_mem>>) src(%arg13 : memref<128xi32, #tpu.memory_space<vmem>>) dst(%dma_wait3A_220 : memref<32768xi32, #tpu.memory_space<vmem_shared>>)
    %dma_wait3A_221 = arith.constant 13 : i32
    %dma_wait3A_222 = arith.constant 0 : i32
    %dma_wait3A_223 = tpu.memref_slice %arg12[%dma_wait3A_221, %dma_wait3A_222] : memref<16x128xi32, #tpu.memory_space<vmem>> -> memref<1x128xi32, #tpu.memory_space<vmem>>
    %dma_wait3A_224 = tpu.memref_squeeze %dma_wait3A_223 : memref<1x128xi32, #tpu.memory_space<vmem>> -> memref<128xi32, #tpu.memory_space<vmem>>
    %dma_wait3A_225 = arith.constant 0 : i32
    %dma_wait3A_226 = tpu.memref_slice %arg14[%dma_wait3A_225] : memref<32768xi32, #tpu.memory_space<vmem_shared>> -> memref<32768xi32, #tpu.memory_space<vmem_shared>>
    tpu.wait_indirect_dma semaphore(%arg17 : memref<!tpu.dma_semaphore, #tpu.memory_space<semaphore_mem>>) src(%arg13 : memref<128xi32, #tpu.memory_space<vmem>>) dst(%dma_wait3A_226 : memref<32768xi32, #tpu.memory_space<vmem_shared>>)
    %dma_wait3A_227 = arith.constant 14 : i32
    %dma_wait3A_228 = arith.constant 0 : i32
    %dma_wait3A_229 = tpu.memref_slice %arg12[%dma_wait3A_227, %dma_wait3A_228] : memref<16x128xi32, #tpu.memory_space<vmem>> -> memref<1x128xi32, #tpu.memory_space<vmem>>
    %dma_wait3A_230 = tpu.memref_squeeze %dma_wait3A_229 : memref<1x128xi32, #tpu.memory_space<vmem>> -> memref<128xi32, #tpu.memory_space<vmem>>
    %dma_wait3A_231 = arith.constant 0 : i32
    %dma_wait3A_232 = tpu.memref_slice %arg14[%dma_wait3A_231] : memref<32768xi32, #tpu.memory_space<vmem_shared>> -> memref<32768xi32, #tpu.memory_space<vmem_shared>>
    tpu.wait_indirect_dma semaphore(%arg17 : memref<!tpu.dma_semaphore, #tpu.memory_space<semaphore_mem>>) src(%arg13 : memref<128xi32, #tpu.memory_space<vmem>>) dst(%dma_wait3A_232 : memref<32768xi32, #tpu.memory_space<vmem_shared>>)
    %dma_wait3A_233 = arith.constant 15 : i32
    %dma_wait3A_234 = arith.constant 0 : i32
    %dma_wait3A_235 = tpu.memref_slice %arg12[%dma_wait3A_233, %dma_wait3A_234] : memref<16x128xi32, #tpu.memory_space<vmem>> -> memref<1x128xi32, #tpu.memory_space<vmem>>
    %dma_wait3A_236 = tpu.memref_squeeze %dma_wait3A_235 : memref<1x128xi32, #tpu.memory_space<vmem>> -> memref<128xi32, #tpu.memory_space<vmem>>
    %dma_wait3A_237 = arith.constant 0 : i32
    %dma_wait3A_238 = tpu.memref_slice %arg14[%dma_wait3A_237] : memref<32768xi32, #tpu.memory_space<vmem_shared>> -> memref<32768xi32, #tpu.memory_space<vmem_shared>>
    tpu.wait_indirect_dma semaphore(%arg17 : memref<!tpu.dma_semaphore, #tpu.memory_space<semaphore_mem>>) src(%arg13 : memref<128xi32, #tpu.memory_space<vmem>>) dst(%dma_wait3A_238 : memref<32768xi32, #tpu.memory_space<vmem_shared>>)
    %barrier3A_239 = arith.constant 0 : index
    tpu.barrier barrier_id(%barrier3A_239)
    tpu.enqueue_dma source(%arg14 : memref<32768xi32, #tpu.memory_space<vmem_shared>>) target(%arg7 : memref<32768xi32, #tpu.memory_space<vmem>>) target_semaphore(%arg17 : memref<!tpu.dma_semaphore, #tpu.memory_space<semaphore_mem>>)
    %dma_wait3A_240 = arith.constant 0 : i32
    %dma_wait3A_241 = tpu.memref_slice %arg2[%dma_wait3A_240, %mul3A_2] : memref<2x524288xi32, #tpu.memory_space<hbm>> -> memref<1x16384xi32, #tpu.memory_space<hbm>>
    %dma_wait3A_242 = tpu.memref_squeeze %dma_wait3A_241 : memref<1x16384xi32, #tpu.memory_space<hbm>> -> memref<16384xi32, #tpu.memory_space<hbm>>
    %dma_wait3A_243 = tpu.memref_slice %arg2[%dma_wait3A_240, %mul3A_2] : memref<2x524288xi32, #tpu.memory_space<hbm>> -> memref<1x16384xi32, #tpu.memory_space<hbm>>
    %dma_wait3A_244 = tpu.memref_squeeze %dma_wait3A_243 : memref<1x16384xi32, #tpu.memory_space<hbm>> -> memref<16384xi32, #tpu.memory_space<hbm>>
    tpu.wait_dma2 semaphore(%arg16 : memref<!tpu.dma_semaphore, #tpu.memory_space<semaphore_mem>>) src(%dma_wait3A_244 : memref<16384xi32, #tpu.memory_space<hbm>>) dst(%arg9 : memref<16384xi32, #tpu.memory_space<vmem>>)
    %dma_wait3A_245 = arith.constant 1 : i32
    %dma_wait3A_246 = tpu.memref_slice %arg2[%dma_wait3A_245, %mul3A_2] : memref<2x524288xi32, #tpu.memory_space<hbm>> -> memref<1x16384xi32, #tpu.memory_space<hbm>>
    %dma_wait3A_247 = tpu.memref_squeeze %dma_wait3A_246 : memref<1x16384xi32, #tpu.memory_space<hbm>> -> memref<16384xi32, #tpu.memory_space<hbm>>
    %dma_wait3A_248 = tpu.memref_slice %arg2[%dma_wait3A_245, %mul3A_2] : memref<2x524288xi32, #tpu.memory_space<hbm>> -> memref<1x16384xi32, #tpu.memory_space<hbm>>
    %dma_wait3A_249 = tpu.memref_squeeze %dma_wait3A_248 : memref<1x16384xi32, #tpu.memory_space<hbm>> -> memref<16384xi32, #tpu.memory_space<hbm>>
    tpu.wait_dma2 semaphore(%arg16 : memref<!tpu.dma_semaphore, #tpu.memory_space<semaphore_mem>>) src(%dma_wait3A_249 : memref<16384xi32, #tpu.memory_space<hbm>>) dst(%arg10 : memref<16384xi32, #tpu.memory_space<vmem>>)
    tpu.wait_dma2 semaphore(%arg18 : memref<!tpu.dma_semaphore, #tpu.memory_space<semaphore_mem>>) src(%arg15 : memref<32768xi32, #tpu.memory_space<vmem_shared>>) dst(%arg8 : memref<32768xi32, #tpu.memory_space<vmem>>)
    tpu.wait_dma2 semaphore(%arg17 : memref<!tpu.dma_semaphore, #tpu.memory_space<semaphore_mem>>) src(%arg14 : memref<32768xi32, #tpu.memory_space<vmem_shared>>) dst(%arg7 : memref<32768xi32, #tpu.memory_space<vmem>>)
    %broadcast_in_dim3A_250 = arith.constant 0 : i32
    %broadcast_in_dim3A_251 = vector.broadcast %broadcast_in_dim3A_250 : i32 to vector<16xi32>
    %broadcast_in_dim3A_252 = arith.constant 1 : i32
    %broadcast_in_dim3A_253 = vector.broadcast %broadcast_in_dim3A_252 : i32 to vector<16xi32>
    %broadcast_in_dim3A_254 = arith.constant -1 : i32
    %broadcast_in_dim3A_255 = vector.broadcast %broadcast_in_dim3A_254 : i32 to vector<16xi32>
    %parallel_loop3A = arith.constant 0 : i32
    %parallel_loop3A_256 = arith.constant 1024 : i32
    %parallel_loop3A_257 = arith.constant 1 : i32
    scf.for %parallel_loop3A_258 = %parallel_loop3A to %parallel_loop3A_256 step %parallel_loop3A_257  : i32 {
      %parallel_loop3A_259 = arith.constant 16 : i32
      %parallel_loop3A_260 = arith.muli %parallel_loop3A_258, %parallel_loop3A_259 : i32
      %parallel_loop3A_261 = arith.index_cast %parallel_loop3A_260 : i32 to index
      %parallel_loop3A_262 = tpu.vector_load %arg9[%parallel_loop3A_261] {strides = array<i32>} : memref<16384xi32, #tpu.memory_space<vmem>>, vector<16xi32>,
      %parallel_loop3A_263 = arith.index_cast %parallel_loop3A_260 : i32 to index
      %parallel_loop3A_264 = tpu.vector_load %arg10[%parallel_loop3A_263] {strides = array<i32>} : memref<16384xi32, #tpu.memory_space<vmem>>, vector<16xi32>,
      %parallel_loop3A_265 = tpu.vector_load_idx %arg7[%parallel_loop3A_262] : memref<32768xi32, #tpu.memory_space<vmem>>[vector<16xi32>], vector<16xi32>,
      %parallel_loop3A_266 = tpu.vector_load_idx %arg8[%parallel_loop3A_264] : memref<32768xi32, #tpu.memory_space<vmem>>[vector<16xi32>], vector<16xi32>,
      %parallel_loop3A_267 = arith.cmpi ne, %parallel_loop3A_265, %broadcast_in_dim3A_251 : vector<16xi32>
      %parallel_loop3A_268 = arith.cmpi ne, %parallel_loop3A_266, %broadcast_in_dim3A_255 : vector<16xi32>
      %parallel_loop3A_269 = arith.andi %parallel_loop3A_267, %parallel_loop3A_268 : vector<16xi1>
      %parallel_loop3A_270 = arith.select %parallel_loop3A_269, %broadcast_in_dim3A_253, %broadcast_in_dim3A_251 : vector<16xi1>, vector<16xi32>
      %parallel_loop3A_271 = arith.index_cast %parallel_loop3A_260 : i32 to index
      %parallel_loop3A_272 = tpu.vector_load %arg11[%parallel_loop3A_271] {strides = array<i32>} : memref<16384xi32, #tpu.memory_space<vmem>>, vector<16xi32>,
      tpu.vector_store %arg11[%parallel_loop3A_271], %parallel_loop3A_270 {strides = array<i32>} : memref<16384xi32, #tpu.memory_space<vmem>>, vector<16xi32>,
    } {sc.loop_unroll_factor = 8 : i64, sc.parallel_access}
    "tpu.region"() ({
      %run_scoped3A = tpu.sem_alloc : memref<!tpu.dma_semaphore, #tpu.memory_space<semaphore_mem>>
      %dma_start3A_258 = tpu.memref_slice %arg6[%mul3A_2] : memref<524288xi32, #tpu.memory_space<hbm>> -> memref<16384xi32, #tpu.memory_space<hbm>>
      %dma_start3A_259 = tpu.memref_slice %arg6[%mul3A_2] : memref<524288xi32, #tpu.memory_space<hbm>> -> memref<16384xi32, #tpu.memory_space<hbm>>
      tpu.enqueue_dma source(%arg11 : memref<16384xi32, #tpu.memory_space<vmem>>) target(%dma_start3A_259 : memref<16384xi32, #tpu.memory_space<hbm>>) target_semaphore(%run_scoped3A : memref<!tpu.dma_semaphore, #tpu.memory_space<semaphore_mem>>)
      %dma_wait3A_260 = tpu.memref_slice %arg6[%mul3A_2] : memref<524288xi32, #tpu.memory_space<hbm>> -> memref<16384xi32, #tpu.memory_space<hbm>>
      %dma_wait3A_261 = tpu.memref_slice %arg6[%mul3A_2] : memref<524288xi32, #tpu.memory_space<hbm>> -> memref<16384xi32, #tpu.memory_space<hbm>>
      tpu.wait_dma2 semaphore(%run_scoped3A : memref<!tpu.dma_semaphore, #tpu.memory_space<semaphore_mem>>) src(%arg11 : memref<16384xi32, #tpu.memory_space<vmem>>) dst(%dma_wait3A_261 : memref<16384xi32, #tpu.memory_space<hbm>>)
      tpu.yield
    }) : () -> ()
    return
  }
}

</mosaic_0001>

<sc_bundles>
// kernel: _sc_mask.3.cloned.1.call-start
scs
__scs_entry_jumppad:
0x0: {  	(pc) =	sbr.rel $0x88, $3  }
0x1: {  	(tag) =	ssettag $0x0;
	lr =	simm.s32 $0x1  }
0x2: {  	[smem:$0x3F9D] =	sst lr;
	_ =	strace $0xD0000000  }
0x3: {  	_ = 	snop  }
0x4: {  	_ = 	snop  }
0x5: {  	_ = 	snop  }
0x6: {  	_ = 	snop  }
0x7: {  	_ = 	snop  }
__scs_overlays_trampoline_lowered:
0x8: {  	[smem:$0x3FAC] =	sst s0  }
0x9: {  	[smem:$0x3FAD] =	sst s1  }
0xa: {  	[smem:$0x3FAE] =	sst s2  }
0xb: {  	[smem:$0x3FAF] =	sst s3  }
0xc: {  	[smem:$0x3FB0] =	sst s4  }
0xd: {  	[smem:$0x3FB1] =	sst s5  }
0xe: {  	[smem:$0x3FB2] =	sst s6  }
0xf: {  	[smem:$0x3FB3] =	sst s7  }
0x10: {  	[smem:$0x3FB4] =	sst s8  }
0x11: {  	[smem:$0x3FB5] =	sst s9;
	s0 =	simm.s32 @!p0 $0x0  }
0x12: {  	s1 =	sld [smem:$0x3F9B];
	s0 =	simm.s32 @p0 $0x1  }
0x13: {  	[smem:$0x3FB6] =	sst s0;
	s0 =	simm.s32 @!p1 $0x0  }
0x14: {  	s2 =	sld [smem:$0x3F9A];
	s0 =	simm.s32 @p1 $0x1  }
0x15: {  	[smem:$0x3FB7] =	sst s0;
	s0 =	simm.s32 @!p2 $0x0  }
0x16: {  	s3 =	sld [smem:$0x3FDB];
	s0 =	simm.s32 @p2 $0x1  }
0x17: {  	s4 =	simm.s32 $0x1BF5;
	[smem:$0x3FB9] =	sst s0  }
0x18: {  	s0 =	sld [smem:$0x3F9C];
	_ =	swait.ge [sflag:s4], $0x0  }
0x19: {  	s7 =	sld [smem:$0x3F9D]  }
0x1a: {  	s8 =	sadd.s32 $0xFFFFE003, lr  }
0x1b: {  	s9 =	sadd.s32 $0xFFFFFEF7, lr;
	s5 =	simm.s32 $0xFFFFFFFF;
	p2 =	slt.u32 s8, $0xFFFFF086  }
0x1c: {  	p1 =	slt.u32 s9, $0xF7A;
	s5 =	simm.s32 @!p2 $0x0  }
0x1d: {  	s5 =	simm.s32 @p1 $0x1;
	p0 =	seq.s32 s7, s2  }
0x1e: {  	s7 =	smul.u32 @!p0 $0xF7A, s2;
	p2 =	seq.s32 @!p0 s5, $0x0  }
0x1f: {  	s9 =	smul.u32 $0xF7A, s1;
	s8 =	simm.s32 @!p0 $0x1BF5;
	p2 =	por !p2, p0  }
0x20: {  	[sflag:s8] =	ssyncset.s32 @!p0 $0xFFFFF086;
	s6 =	sadd.s32 @!p0 s3, s7;
	s7 =	simm.s32 @!p0 $0x108  }
0x21: {  	s3 =	sadd.s32 s3, s9;
	s6 =	sadd.s32 @!p0 $0x88, s6;
	s7 =	simm.s32 @p2 $0x1082  }
0x22: {  	[simem:s7], [sflag:s8] =	dma.local @!p0 [hbm:s6], $0xF7A  }
0x23: {  	s9 =	sor.u32 $0xD0000000, s2;
	s6 =	simm.s32 $0x108;
	_ =	swait.ge @!p0 [sflag:s8], $0x0  }
0x24: {  	s3 =	sadd.s32 $0x88, s3;
	s6 =	simm.s32 @!p1 $0x1082;
	[sflag:s4] =	ssyncset.s32 $0xFFFFF086  }
0x25: {  	[simem:s6], [sflag:s4] =	dma.local [hbm:s3], $0xF7A  }
0x26: {  	[smem:$0x3F9D] =	sst s1;
	(tag) =	ssettag s2;
	_ =	strace s9  }
0x27: {  	s1 =	sld [smem:$0x3FAD]  }
0x28: {  	s2 =	sld [smem:$0x3FAE]  }
0x29: {  	s4 =	sld [smem:$0x3FB0]  }
0x2a: {  	p0 =	seq.s32 s5, $0x0;
	s5 =	sld [smem:$0x3FB1]  }
0x2b: {  	s6 =	sld [smem:$0x3FB2]  }
0x2c: {  	s7 =	sld [smem:$0x3FB3]  }
0x2d: {  	s3 =	simm.s32 $0x108;
	s8 =	sld [smem:$0x3FB4]  }
0x2e: {  	s3 =	simm.s32 @!p0 $0x1082;
	s9 =	sld [smem:$0x3FB5]  }
0x2f: {  	lr =	sadd.s32 s0, s3;
	s0 =	sld [smem:$0x3FAC]  }
0x30: {  	s3 =	sld [smem:$0x3FAF]  }
0x31: {  	[smem:$0x3FB8] =	sst s10  }
0x32: {  	s10 =	sld [smem:$0x3FB6];
	_ =	sdelay $0x3  }
0x33: {  	p0 =	seq.s32 s10, $0x1;
	s10 =	sld [smem:$0x3FB8];
	_ =	sdelay $0x3  }
0x34: {  	[smem:$0x3FB8] =	sst s10  }
0x35: {  	s10 =	sld [smem:$0x3FB7];
	_ =	sdelay $0x3  }
0x36: {  	p1 =	seq.s32 s10, $0x1;
	s10 =	sld [smem:$0x3FB8];
	_ =	sdelay $0x3  }
0x37: {  	[smem:$0x3FB8] =	sst s10  }
0x38: {  	s10 =	sld [smem:$0x3FB9]  }
0x39: {  	_ = 	snop;
	(pc) =	sbr.ind lr, $3  }
0x3a: {  	_ = 	snop  }
0x3b: {  	_ = 	snop  }
0x3c: {  	p2 =	seq.s32 s10, $0x1;
	s10 =	sld [smem:$0x3FB8]  }
0x3d: {  	_ =	shalt  }
0x3e: {  	_ =	shalt  }
0x3f: {  	_ =	shalt  }
0x40: {  	_ =	shalt  }
0x41: {  	_ =	shalt  }
0x42: {  	_ =	shalt  }
0x43: {  	_ =	shalt  }
0x44: {  	_ =	shalt  }
0x45: {  	_ =	shalt  }
0x46: {  	_ =	shalt  }
0x47: {  	_ =	shalt  }
0x48: {  	_ =	shalt  }
0x49: {  	_ =	shalt  }
0x4a: {  	_ =	shalt  }
0x4b: {  	_ =	shalt  }
0x4c: {  	_ =	shalt  }
0x4d: {  	_ =	shalt  }
0x4e: {  	_ =	shalt  }
0x4f: {  	_ =	shalt  }
0x50: {  	_ =	shalt  }
0x51: {  	_ =	shalt  }
0x52: {  	_ =	shalt  }
0x53: {  	_ =	shalt  }
0x54: {  	_ =	shalt  }
0x55: {  	_ =	shalt  }
0x56: {  	_ =	shalt  }
0x57: {  	_ =	shalt  }
0x58: {  	_ =	shalt  }
0x59: {  	_ =	shalt  }
0x5a: {  	_ =	shalt  }
0x5b: {  	_ =	shalt  }
0x5c: {  	_ =	shalt  }
0x5d: {  	_ =	shalt  }
0x5e: {  	_ =	shalt  }
0x5f: {  	_ =	shalt  }
0x60: {  	_ =	shalt  }
0x61: {  	_ =	shalt  }
0x62: {  	_ =	shalt  }
0x63: {  	_ =	shalt  }
0x64: {  	_ =	shalt  }
0x65: {  	_ =	shalt  }
0x66: {  	_ =	shalt  }
0x67: {  	_ =	shalt  }
0x68: {  	_ =	shalt  }
0x69: {  	_ =	shalt  }
0x6a: {  	_ =	shalt  }
0x6b: {  	_ =	shalt  }
0x6c: {  	_ =	shalt  }
0x6d: {  	_ =	shalt  }
0x6e: {  	_ =	shalt  }
0x6f: {  	_ =	shalt  }
0x70: {  	_ =	shalt  }
0x71: {  	_ =	shalt  }
0x72: {  	_ =	shalt  }
0x73: {  	_ =	shalt  }
0x74: {  	_ =	shalt  }
0x75: {  	_ =	shalt  }
0x76: {  	_ =	shalt  }
0x77: {  	_ =	shalt  }
0x78: {  	_ =	shalt  }
0x79: {  	_ =	shalt  }
0x7a: {  	_ =	shalt  }
0x7b: {  	_ =	shalt  }
0x7c: {  	_ =	shalt  }
0x7d: {  	_ =	shalt  }
0x7e: {  	_ =	shalt  }
0x7f: {  	_ =	shalt  }
0x80: {  	_ =	shalt  }
0x81: {  	_ =	shalt  }
0x82: {  	_ =	shalt  }
0x83: {  	_ =	shalt  }
0x84: {  	_ =	shalt  }
0x85: {  	_ =	shalt  }
0x86: {  	_ =	shalt  }
0x87: {  	_ =	shalt  }
.Lfunc_end0:
.L_simem_size_0:
called_computation_lowered:
.L_overlay_start_0:
0x88: {  	s2 =	sld [smem:$0x3FD9]  }
0x89: {  	s3 =	sld [smem:$0x3FFE];
	_ =	sdelay $0x1  }
0x8a: {  	s1 =	srdreg.scid  }
0x8b: {  	s0 =	sand.u32 $0x1, s1  }
0x8c: {  	s18 =	sshll.u32 s0, $0xA;
	s2 =	sadd.s32 s3, s2  }
0x8d: {  	s2 =	sadd.s32 s2, s18  }
0x8e: {  	[smem:$0x3FC4] =	sst s2  }
0x8f: {  	_ = 	snop  }
0x90: {  	s2 =	sld [smem:$0x3FC9]  }
0x91: {  	s19 =	sld [smem:$0x3FC8]  }
0x92: {  	s4 =	sld [smem:$0x3FC7]  }
0x93: {  	s5 =	sld [smem:$0x3FC6]  }
0x94: {  	s6 =	sld [smem:$0x3FD0];
	(tm) =	ssettm $0x1  }
0x95: {  	s7 =	sld [smem:$0x3FFB];
	_ =	sdelay $0x3  }
0x96: {  	_ =	strace s7  }
0x97: {  	s7 =	sld [smem:$0x3FFC];
	_ =	sdelay $0x3  }
0x98: {  	_ =	strace s7  }
0x99: {  	s7 =	sld [smem:$0x3FFD];
	_ =	sdelay $0x3  }
0x9a: {  	_ =	strace s7  }
0x9b: {  	_ =	strace $0x8FFFFFFF  }
0x9c: {  	s20 =	sld [smem:$0x3FDB];
	_ =	sdelay $0x1  }
0x9d: {  	s8 =	simm.s32 $_scs_section_size  }
0x9e: {  	s9 =	simm.s32 $_size__tile_overlayer_lowered;
	s10 =	simm.s32 $_tile_overlayer_lowered  }
0x9f: {  	s23 =	simm.s32 $0x1BFF;
	s22 =	sshll.u32 s10, $0x1;
	s7 =	sadd.s32 s8, s20  }
0xa0: {  	s11 =	simm.s32 $0x0;
	s21 =	sshll.u32 s9, $0x1;
	s9 =	sadd.s32 s22, s7  }
0xa1: {  	[timem:s11], [sflag:s23] =	dma.local [hbm:s9], s21  }
0xa2: {  	_ =	swait.ge [sflag:s23], s21  }
0xa3: {  	s8 =	ssub.s32 $0x0, s21;
	[sflag:s23] =	ssyncset.done $0x0  }
0xa4: {  	[sflag:s23] =	ssyncadd.s32 s8;
	_ =	sdelay $0x1  }
0xa5: {  	s24 =	simm.s32 $0x1B8B  }
0xa6: {  	_ =	swait.ge [sflag:s24], $0x1  }
0xa7: {  	[sflag:s24] =	ssyncset.done $0x0  }
0xa8: {  	s25 =	simm.s32 $0x1B8E;
	[sflag:s24] =	ssyncadd.s32 $0xFFFFFFFF  }
0xa9: {  	s26 =	simm.s32 $execute0_lowered;
	[smem:$0x3FD2] =	sst s25  }
0xaa: {  	s8 =	sshll.u32 s26, $0x1;
	_ =	strace $0x80000046;
	[dreg:$0x1] =	wrdreg $0xFFFFFFFF  }
0xab: {  	s28 =	simm.s32 $_size_execute0_lowered;
	s7 =	sadd.s32 s7, s8;
	[dreg:$0x0] =	wrdreg $0x0  }
0xac: {  	s8 =	sshll.u32 s28, $0x1;
	[dreg:$0x2] =	wrdreg s7  }
0xad: {  	[dreg:$0x3] =	wrdreg s8  }
0xae: {  	[dreg:$0x4] =	wrdreg $0xC0  }
0xaf: {  	_ =	task [dreg:s11], $0x5FFFF  }
0xb0: {  	[dreg:$0x1] =	wrdreg $0xFFFFFFFF  }
0xb1: {  	[dreg:$0x0] =	wrdreg $0x60  }
0xb2: {  	[dreg:$0x2] =	wrdreg s2  }
0xb3: {  	[dreg:$0x3] =	wrdreg s19  }
0xb4: {  	[dreg:$0x4] =	wrdreg s4  }
0xb5: {  	[dreg:$0x5] =	wrdreg s5  }
0xb6: {  	[dreg:$0x6] =	wrdreg s6  }
0xb7: {  	[dreg:$0x7] =	wrdreg $0x1C8800  }
0xb8: {  	[dreg:$0x8] =	wrdreg $0x1D0800  }
0xb9: {  	[dreg:$0x9] =	wrdreg $0x9  }
0xba: {  	_ =	task.clear_ibuf [dreg:s11], $0xAFFFF;
	_ =	strace $0x90000046  }
0xbb: {  	s29 =	simm.s32 $0x9;
	_ =	strace $0x80000048  }
0xbc: {  	_ =	swait.ge [sflag:s29], $0x1  }
0xbd: {  	[sflag:s29] =	ssyncadd.s32 $0xFFFFFFFF  }
0xbe: {  	_ =	strace $0x90000048  }
0xbf: {  	_ =	sfence  }
0xc0: {  	s30 =	sld [smem:$0x0];
	_ =	sdelay $0x2  }
0xc1: {  	s31 =	sshll.u32 s1, $0xD;
	s1 =	sshrl.u32 s1, $0x2  }
0xc2: {  	s3 =	sand.u32 $0x4000, s31;
	s1 =	sadd.s32 s1, s30  }
0xc3: {  	s0 =	sor.u32 s3, s0;
	s1 =	sshll.u32 s1, $0x11  }
0xc4: {  	s0 =	sor.u32 s1, s0  }
0xc5: {  	s0 =	sadd.s32 $0x8F2B, s0  }
0xc6: {  	[sflag:s0] =	ssyncadd.remote.s32 $0x1  }
0xc7: {  	_ =	sfence.sel $0xFFFF  }
0xc8: {  	[dreg:$0x0] =	wrdreg $0xFFFFFFFF;
	(pc) =	sbr.abs _section_cstart, $3  }
0xc9: {  	[dreg:$0x1] =	wrdreg $0xFFFFFFFF  }
0xca: {  	_ =	task.clear_ibuf [dreg:s11], $0x2FFFF;
	_ =	strace $0x9FFFFFFF  }
0xcb: {  	(tm) =	ssettm $0x7FFFFFFF  }
tec
execute0_lowered:
.L_overlay_start_1:
0x0: {  	(tag) =	ssettag $0x1  }
0x1: {  	s0 =	rddreg [dreg:$0x0]  }
0x2: {  	s1 =	rddreg [dreg:$0x1]  }
0x3: {  	s3 =	rddreg [dreg:$0x2]  }
0x4: {  	s7 =	rddreg [dreg:$0x3]  }
0x5: {  	s11 =	rddreg [dreg:$0x4]  }
0x6: {  	s4 =	srdreg.scid;
	s2 =	rddreg [dreg:$0x5]  }
0x7: {  	s13 =	stileid.u32;
	s14 =	rddreg [dreg:$0x6]  }
0x8: {  	s19 =	simm.s32 $0x1C000;
	s20 =	simm.s32 $0x2;
	s21 =	simm.s32 $0x8000  }
0x9: {  	s28 =	simm.s32 $0x18000;
	s29 =	simm.s32 $0x4;
	s30 =	simm.s32 $0x0  }
0xa: {  	s5 =	sand.u32 $0x1, s4;
	s22 =	sshll.u32 s13, $0xF;
	s4 =	simm.s32 $0x0  }
0xb: {  	s9 =	sshll.u32 s13, $0xB;
	s12 =	sshll.u32 s13, $0x8;
	s26 =	sshll.u32 s13, $0x6  }
0xc: {  	s13 =	simm.s32 $0x80;
	s6 =	sshll.u32 s5, $0xE;
	s23 =	ssub.s32 $0x2, s5  }
0xd: {  	[smem:$0x7FF] =	sst s4;
	s15 =	sadd.s32 s9, s2;
	s7 =	sadd.s32 s7, s12  }
0xe: {  	s16 =	sadd.s32 s9, s14;
	s9 =	sadd.s32 s1, s12;
	s14 =	simm.s32 $0x100  }
0xf: {  	s10 =	sor.u32 s6, s22;
	s8 =	sshrl.u32 s23, $0x1;
	_ =	strace $0x80000047  }
0x10: {  	s17 =	sshrl.u32 s15, $0x3;
	s18 =	sshrl.u32 s16, $0x3;
	s22 =	simm.s32 $0x1C800  }
0x11: {  	s15 =	simm.s32 $0x1C600;
	s16 =	simm.s32 $0x1C680;
	s24 =	sshrl.u32 s10, $0x2  }
0x12: {  	s25 =	ssub.s32 s23, s8;
	s8 =	sor.u32 $0x1C02, s26;
	s31 =	sshrl.u32 s10, $0x3  }
0x13: {  	s10 =	sadd.s32 s3, s12;
	s23 =	simm.s32 $0x1C700;
	s26 =	simm.s32 $0x3  }
0x14: {  	s5 =	sadd.s32 s0, s24;
	s11 =	sadd.s32 s11, s31;
	s12 =	smax.u32 s25, $0x1  }
0x15: {  	v0 =	vimm.s32 $0x1;
	v1 =	vimm.s32 $0x0;
	s24 =	simm.s32 $0x1C780;
	s25 =	simm.s32 $0x1;
	s6 =	sadd.s32 $0x10, s5  }
.LBB2_1:
0x16: {  	s0 =	simm.s32 $0x10000  }
0x17: {  	[tilespmem:s0], [sflag:$0x1] =	stream.strided.gather [hbm4b:s5+s13], $0x4000, s14, s13, $0x38;
	[tilespmem:$0x1D880] =	vst v63  }
0x18: {  	s1 =	simm.s32 $0x14000  }
0x19: {  	[tilespmem:s1], [sflag:$0x1] =	stream.strided.gather [hbm4b:s6+s13], $0x4000, s14, s13, $0x38;
	[tilespmem:$0x1D880] =	vst v63  }
0x1a: {  	[spmem:s17], [sflag:s8] =	dma.local [hbm:s7], $0x100  }
0x1b: {  	[spmem:s18], [sflag:s8] =	dma.local [hbm:s9], $0x100  }
0x1c: {  	[tilespmem:s19], [sflag:$0x2] =	stream.linear.gather [hbm4b:s10+s4], $0x800, $0x38;
	[tilespmem:$0x1D880] =	vst v63  }
0x1d: {  	[tilespmem:$0x1C800] =	vst v0  }
0x1e: {  	[tilespmem:$0x1C810] =	vst v0  }
0x1f: {  	[tilespmem:$0x1C820] =	vst v0  }
0x20: {  	[tilespmem:$0x1C830] =	vst v0  }
0x21: {  	[tilespmem:$0x1C840] =	vst v0  }
0x22: {  	[tilespmem:$0x1C850] =	vst v0  }
0x23: {  	[tilespmem:$0x1C860] =	vst v0  }
0x24: {  	[tilespmem:$0x1C870] =	vst v0  }
0x25: {  	_ =	swait.ge [sflag:s20], $0x100  }
0x26: {  	[sflag:s20] =	ssyncset.done $0x0  }
0x27: {  	[sflag:s20] =	ssyncadd.s32 $0xFFFFFF00  }
0x28: {  	_ =	swait.ge [sflag:s20], $0x100  }
0x29: {  	[sflag:s20] =	ssyncset.done $0x0  }
0x2a: {  	[sflag:s20] =	ssyncadd.s32 $0xFFFFFF00  }
0x2b: {  	_ =	swait.ge [sflag:s20], $0x800  }
0x2c: {  	[sflag:s20] =	ssyncset.done $0x0  }
0x2d: {  	[sflag:s20] =	ssyncadd.s32 $0xFFFFF800  }
0x2e: {  	[bflag:$0x0] =	sbarrier.arrive $0xFFFF  }
0x2f: {  	s3 =	rddreg [dreg:$0x6]  }
0x30: {  	[tilespmem:s21], [sflag:$0x3] =	stream.linear.gather [spmem:s3], $0x8000, $0x38;
	[tilespmem:$0x1D880] =	vst v63  }
0x31: {  	_ = 	snop  }
0x32: {  	[spmem:s2] =	stream.indirect.scatter.add.s32 [tilespmem:s22], [sflag:$0x2], $0x1, s19, s13, $0xb8;
	[tilespmem:$0x1D880] =	vst v63  }
0x33: {  	s1 =	simm.s32 $0x1C080  }
0x34: {  	[spmem:s2] =	stream.indirect.scatter.add.s32 [tilespmem:s22], [sflag:$0x2], $0x1, s1, s13, $0xb8;
	[tilespmem:$0x1D880] =	vst v63  }
0x35: {  	s3 =	simm.s32 $0x1C100  }
0x36: {  	[spmem:s2] =	stream.indirect.scatter.add.s32 [tilespmem:s22], [sflag:$0x2], $0x1, s3, s13, $0xb8;
	[tilespmem:$0x1D880] =	vst v63  }
0x37: {  	s1 =	simm.s32 $0x1C180  }
0x38: {  	[spmem:s2] =	stream.indirect.scatter.add.s32 [tilespmem:s22], [sflag:$0x2], $0x1, s1, s13, $0xb8;
	[tilespmem:$0x1D880] =	vst v63  }
0x39: {  	s3 =	simm.s32 $0x1C200  }
0x3a: {  	[spmem:s2] =	stream.indirect.scatter.add.s32 [tilespmem:s22], [sflag:$0x2], $0x1, s3, s13, $0xb8;
	[tilespmem:$0x1D880] =	vst v63  }
0x3b: {  	s1 =	simm.s32 $0x1C280  }
0x3c: {  	[spmem:s2] =	stream.indirect.scatter.add.s32 [tilespmem:s22], [sflag:$0x2], $0x1, s1, s13, $0xb8;
	[tilespmem:$0x1D880] =	vst v63  }
0x3d: {  	s3 =	simm.s32 $0x1C300  }
0x3e: {  	[spmem:s2] =	stream.indirect.scatter.add.s32 [tilespmem:s22], [sflag:$0x2], $0x1, s3, s13, $0xb8;
	[tilespmem:$0x1D880] =	vst v63  }
0x3f: {  	s1 =	simm.s32 $0x1C380  }
0x40: {  	[spmem:s2] =	stream.indirect.scatter.add.s32 [tilespmem:s22], [sflag:$0x2], $0x1, s1, s13, $0xb8;
	[tilespmem:$0x1D880] =	vst v63  }
0x41: {  	s3 =	simm.s32 $0x1C400  }
0x42: {  	[spmem:s2] =	stream.indirect.scatter.add.s32 [tilespmem:s22], [sflag:$0x2], $0x1, s3, s13, $0xb8;
	[tilespmem:$0x1D880] =	vst v63  }
0x43: {  	s1 =	simm.s32 $0x1C480  }
0x44: {  	[spmem:s2] =	stream.indirect.scatter.add.s32 [tilespmem:s22], [sflag:$0x2], $0x1, s1, s13, $0xb8;
	[tilespmem:$0x1D880] =	vst v63  }
0x45: {  	s3 =	simm.s32 $0x1C500  }
0x46: {  	[spmem:s2] =	stream.indirect.scatter.add.s32 [tilespmem:s22], [sflag:$0x2], $0x1, s3, s13, $0xb8;
	[tilespmem:$0x1D880] =	vst v63  }
0x47: {  	s1 =	simm.s32 $0x1C580  }
0x48: {  	[spmem:s2] =	stream.indirect.scatter.add.s32 [tilespmem:s22], [sflag:$0x2], $0x1, s1, s13, $0xb8;
	[tilespmem:$0x1D880] =	vst v63  }
0x49: {  	_ = 	snop  }
0x4a: {  	[spmem:s2] =	stream.indirect.scatter.add.s32 [tilespmem:s22], [sflag:$0x2], $0x1, s15, s13, $0xb8;
	[tilespmem:$0x1D880] =	vst v63  }
0x4b: {  	_ = 	snop  }
0x4c: {  	[spmem:s2] =	stream.indirect.scatter.add.s32 [tilespmem:s22], [sflag:$0x2], $0x1, s16, s13, $0xb8;
	[tilespmem:$0x1D880] =	vst v63  }
0x4d: {  	_ = 	snop  }
0x4e: {  	[spmem:s2] =	stream.indirect.scatter.add.s32 [tilespmem:s22], [sflag:$0x2], $0x1, s23, s13, $0xb8;
	[tilespmem:$0x1D880] =	vst v63  }
0x4f: {  	_ = 	snop  }
0x50: {  	[spmem:s2] =	stream.indirect.scatter.add.s32 [tilespmem:s22], [sflag:$0x2], $0x1, s24, s13, $0xb8;
	[tilespmem:$0x1D880] =	vst v63  }
0x51: {  	_ =	swait.ge [sflag:s20], $0x80  }
0x52: {  	[sflag:s20] =	ssyncset.done $0x0  }
0x53: {  	[sflag:s20] =	ssyncadd.s32 $0xFFFFFF80  }
0x54: {  	_ =	swait.ge [sflag:s20], $0x80  }
0x55: {  	[sflag:s20] =	ssyncset.done $0x0  }
0x56: {  	[sflag:s20] =	ssyncadd.s32 $0xFFFFFF80  }
0x57: {  	_ =	swait.ge [sflag:s20], $0x80  }
0x58: {  	[sflag:s20] =	ssyncset.done $0x0  }
0x59: {  	[sflag:s20] =	ssyncadd.s32 $0xFFFFFF80  }
0x5a: {  	_ =	swait.ge [sflag:s20], $0x80  }
0x5b: {  	[sflag:s20] =	ssyncset.done $0x0  }
0x5c: {  	[sflag:s20] =	ssyncadd.s32 $0xFFFFFF80  }
0x5d: {  	_ =	swait.ge [sflag:s20], $0x80  }
0x5e: {  	[sflag:s20] =	ssyncset.done $0x0  }
0x5f: {  	[sflag:s20] =	ssyncadd.s32 $0xFFFFFF80  }
0x60: {  	_ =	swait.ge [sflag:s20], $0x80  }
0x61: {  	[sflag:s20] =	ssyncset.done $0x0  }
0x62: {  	[sflag:s20] =	ssyncadd.s32 $0xFFFFFF80  }
0x63: {  	_ =	swait.ge [sflag:s20], $0x80  }
0x64: {  	[sflag:s20] =	ssyncset.done $0x0  }
0x65: {  	[sflag:s20] =	ssyncadd.s32 $0xFFFFFF80  }
0x66: {  	_ =	swait.ge [sflag:s20], $0x80  }
0x67: {  	[sflag:s20] =	ssyncset.done $0x0  }
0x68: {  	[sflag:s20] =	ssyncadd.s32 $0xFFFFFF80  }
0x69: {  	_ =	swait.ge [sflag:s20], $0x80  }
0x6a: {  	[sflag:s20] =	ssyncset.done $0x0  }
0x6b: {  	[sflag:s20] =	ssyncadd.s32 $0xFFFFFF80  }
0x6c: {  	_ =	swait.ge [sflag:s20], $0x80  }
0x6d: {  	[sflag:s20] =	ssyncset.done $0x0  }
0x6e: {  	[sflag:s20] =	ssyncadd.s32 $0xFFFFFF80  }
0x6f: {  	_ =	swait.ge [sflag:s20], $0x80  }
0x70: {  	[sflag:s20] =	ssyncset.done $0x0  }
0x71: {  	[sflag:s20] =	ssyncadd.s32 $0xFFFFFF80  }
0x72: {  	_ =	swait.ge [sflag:s20], $0x80  }
0x73: {  	[sflag:s20] =	ssyncset.done $0x0  }
0x74: {  	[sflag:s20] =	ssyncadd.s32 $0xFFFFFF80  }
0x75: {  	_ =	swait.ge [sflag:s20], $0x80  }
0x76: {  	[sflag:s20] =	ssyncset.done $0x0  }
0x77: {  	[sflag:s20] =	ssyncadd.s32 $0xFFFFFF80  }
0x78: {  	_ =	swait.ge [sflag:s20], $0x80  }
0x79: {  	[sflag:s20] =	ssyncset.done $0x0  }
0x7a: {  	[sflag:s20] =	ssyncadd.s32 $0xFFFFFF80  }
0x7b: {  	_ =	swait.ge [sflag:s20], $0x80  }
0x7c: {  	[sflag:s20] =	ssyncset.done $0x0  }
0x7d: {  	[sflag:s20] =	ssyncadd.s32 $0xFFFFFF80  }
0x7e: {  	_ =	swait.ge [sflag:s20], $0x80  }
0x7f: {  	[sflag:s20] =	ssyncset.done $0x0  }
0x80: {  	[sflag:s20] =	ssyncadd.s32 $0xFFFFFF80  }
0x81: {  	[bflag:$0x0] =	sbarrier.arrive $0xFFFF  }
0x82: {  	[tilespmem:s4], [sflag:$0x2] =	stream.linear.gather [spmem:s2], $0x8000, $0x38;
	[tilespmem:$0x1D880] =	vst v63  }
0x83: {  	_ =	swait.ge [sflag:s25], $0x4000  }
0x84: {  	[sflag:s25] =	ssyncset.done $0x0  }
0x85: {  	[sflag:s25] =	ssyncadd.s32 $0xFFFFC000  }
0x86: {  	_ =	swait.ge [sflag:s25], $0x4000  }
0x87: {  	[sflag:s25] =	ssyncset.done $0x0  }
0x88: {  	[sflag:s25] =	ssyncadd.s32 $0xFFFFC000  }
0x89: {  	_ =	swait.ge [sflag:s26], $0x8000  }
0x8a: {  	[sflag:s26] =	ssyncset.done $0x0  }
0x8b: {  	[sflag:s26] =	ssyncadd.s32 $0xFFFF8000  }
0x8c: {  	_ =	swait.ge [sflag:s20], $0x8000  }
0x8d: {  	[sflag:s20] =	ssyncset.done $0x0  }
0x8e: {  	s3 =	simm.s32 $0x10040;
	[sflag:s20] =	ssyncadd.s32 $0xFFFF8000  }
0x8f: {  	s31 =	simm.s32 $0x14040;
	v2 =	vld [tilespmem:s3+$0x30]  }
0x90: {  	v3 =	vld [tilespmem:s31+$0x30]  }
0x91: {  	v4 =	vld [tilespmem:s31+$0xFFFFFFC0]  }
0x92: {  	v5 =	vld [tilespmem:s3+$0xFFFFFFD0]  }
0x93: {  	v6 =	vld [tilespmem:s31+$0xFFFFFFD0]  }
0x94: {  	v7 =	vld [tilespmem:s3+$0xFFFFFFE0]  }
0x95: {  	v8 =	vld [tilespmem:s31+$0xFFFFFFE0]  }
0x96: {  	v9 =	vld [tilespmem:s3+$0xFFFFFFF0]  }
0x97: {  	v10 =	vld [tilespmem:s31+$0xFFFFFFF0]  }
0x98: {  	v11 =	vld [tilespmem:s3+$0x0]  }
0x99: {  	v12 =	vld [tilespmem:s31+$0x0]  }
0x9a: {  	v13 =	vld [tilespmem:s3+$0x10]  }
0x9b: {  	v14 =	vld [tilespmem:s31+$0x10]  }
0x9c: {  	v15 =	vld [tilespmem:s3+$0x20]  }
0x9d: {  	v16 =	vld [tilespmem:s31+$0x20]  }
0x9e: {  	v17 =	vld [tilespmem:s3+$0xFFFFFFC0]  }
0x9f: {  	v2 =	vld.idx.msk [tilespmem:v2+s4+$0x0], $0xffff  }
0xa0: {  	v3 =	vld.idx.msk [tilespmem:v3+s21+$0x0], $0xffff  }
0xa1: {  	v18 =	vld.idx.msk [tilespmem:v4+s21+$0x0], $0xffff  }
0xa2: {  	v4 =	vld.idx.msk [tilespmem:v5+s4+$0x0], $0xffff  }
0xa3: {  	v5 =	vld.idx.msk [tilespmem:v6+s21+$0x0], $0xffff  }
0xa4: {  	v6 =	vld.idx.msk [tilespmem:v7+s4+$0x0], $0xffff  }
0xa5: {  	v7 =	vld.idx.msk [tilespmem:v8+s21+$0x0], $0xffff  }
0xa6: {  	v8 =	vld.idx.msk [tilespmem:v9+s4+$0x0], $0xffff  }
0xa7: {  	v61 =	vld.idx.msk [tilespmem:v10+s21+$0x0], $0xffff  }
0xa8: {  	v62 =	vld.idx.msk [tilespmem:v17+s4+$0x0], $0xffff;
	vm0 =	vne.s32 v2, $0x0;
	vm1 =	vne.s32 v3, $0xFFFFFFFF  }
0xa9: {  	v3 =	vld.idx.msk [tilespmem:v11+s4+$0x0], $0xffff;
	vm0 =	vmand vm0, vm1  }
0xaa: {  	v2 =	vld.idx.msk [tilespmem:v13+s4+$0x0], $0xffff;
	vm1 =	vne.s32 v5, $0xFFFFFFFF;
	v63 =	vsel vm0, $0x1, v1;
	vm0 =	vne.s32 v4, $0x0  }
0xab: {  	s1 =	simm.s32 $0x18040;
	vm2 =	vne.s32 v7, $0xFFFFFFFF;
	v4 =	vld.idx.msk [tilespmem:v12+s21+$0x0], $0xffff;
	vm0 =	vmand vm0, vm1;
	vm1 =	vne.s32 v6, $0x0  }
0xac: {  	v5 =	vld.idx.msk [tilespmem:v14+s21+$0x0], $0xffff;
	[tilespmem:s1+$0x30] =	vst v63;
	v6 =	vsel vm0, $0x1, v1;
	vm0 =	vmand vm1, vm2  }
0xad: {  	vm3 =	vne.s32 v61, $0xFFFFFFFF;
	vm2 =	vne.s32 v8, $0x0;
	[tilespmem:s1+$0xFFFFFFD0] =	vst v6;
	v7 =	vsel vm0, $0x1, v1;
	v6 =	vld.idx.msk [tilespmem:v15+s4+$0x0], $0xffff  }
0xae: {  	s0 =	simm.s32 $0x0;
	s3 =	simm.s32 $0x100C0;
	vm1 =	vne.s32 v62, $0x0;
	vm0 =	vne.s32 v18, $0xFFFFFFFF;
	vm2 =	vmand vm2, vm3;
	[tilespmem:s1+$0xFFFFFFE0] =	vst v7;
	v7 =	vld.idx.msk [tilespmem:v16+s21+$0x0], $0xffff  }
.LBB2_2:
0xaf: {  	v8 =	vld [tilespmem:s3+$0x30];
	vm0 =	vmand vm1, vm0;
	v9 =	vsel vm2, $0x1, v1;
	vm1 =	vne.s32 v3, $0x0;
	s31 =	sadd.s32 $0x80, s31  }
0xb0: {  	s0 =	sadd.s32 $0x8, s0;
	v3 =	vld [tilespmem:s31+$0x30];
	v10 =	vsel vm0, $0x1, v1;
	[tilespmem:s1+$0xFFFFFFF0] =	vst v9;
	vm0 =	vne.s32 v4, $0xFFFFFFFF  }
0xb1: {  	p0 =	slt.u32 s0, $0x3F8;
	v4 =	vld [tilespmem:s31+$0xFFFFFFC0];
	[tilespmem:s1+$0xFFFFFFC0] =	vst v10;
	vm0 =	vmand vm1, vm0;
	vm1 =	vne.s32 v2, $0x0  }
0xb2: {  	v2 =	vld [tilespmem:s3+$0xFFFFFFD0];
	v9 =	vsel vm0, $0x1, v1;
	vm0 =	vne.s32 v5, $0xFFFFFFFF  }
0xb3: {  	v5 =	vld [tilespmem:s31+$0xFFFFFFD0];
	[tilespmem:s1+$0x0] =	vst v9;
	vm0 =	vmand vm1, vm0;
	vm1 =	vne.s32 v6, $0x0  }
0xb4: {  	v6 =	vld [tilespmem:s3+$0xFFFFFFE0];
	v9 =	vsel vm0, $0x1, v1;
	vm0 =	vne.s32 v7, $0xFFFFFFFF  }
0xb5: {  	v7 =	vld [tilespmem:s31+$0xFFFFFFE0];
	[tilespmem:s1+$0x10] =	vst v9;
	vm0 =	vmand vm1, vm0  }
0xb6: {  	v9 =	vld [tilespmem:s3+$0xFFFFFFF0];
	v10 =	vsel vm0, $0x1, v1  }
0xb7: {  	v8 =	vld.idx.msk [tilespmem:v8+s4+$0x0], $0xffff;
	[tilespmem:s1+$0x20] =	vst v10  }
0xb8: {  	v3 =	vld.idx.msk [tilespmem:v3+s21+$0x0], $0xffff  }
0xb9: {  	v10 =	vld [tilespmem:s31+$0xFFFFFFF0]  }
0xba: {  	v11 =	vld [tilespmem:s3+$0x0]  }
0xbb: {  	v12 =	vld [tilespmem:s31+$0x0]  }
0xbc: {  	v13 =	vld [tilespmem:s3+$0x10]  }
0xbd: {  	v14 =	vld [tilespmem:s31+$0x10]  }
0xbe: {  	vm0 =	vne.s32 v8, $0x0;
	vm1 =	vne.s32 v3, $0xFFFFFFFF;
	v15 =	vld [tilespmem:s3+$0x20]  }
0xbf: {  	vm0 =	vmand vm0, vm1;
	v8 =	vld [tilespmem:s31+$0x20]  }
0xc0: {  	s1 =	sadd.s32 $0x80, s1;
	v16 =	vsel vm0, $0x1, v1;
	v3 =	vld [tilespmem:s3+$0xFFFFFFC0]  }
0xc1: {  	v4 =	vld.idx.msk [tilespmem:v4+s21+$0x0], $0xffff;
	[tilespmem:s1+$0x30] =	vst v16  }
0xc2: {  	v2 =	vld.idx.msk [tilespmem:v2+s4+$0x0], $0xffff  }
0xc3: {  	v5 =	vld.idx.msk [tilespmem:v5+s21+$0x0], $0xffff  }
0xc4: {  	v6 =	vld.idx.msk [tilespmem:v6+s4+$0x0], $0xffff  }
0xc5: {  	v7 =	vld.idx.msk [tilespmem:v7+s21+$0x0], $0xffff  }
0xc6: {  	v9 =	vld.idx.msk [tilespmem:v9+s4+$0x0], $0xffff  }
0xc7: {  	vm0 =	vne.s32 v4, $0xFFFFFFFF;
	v10 =	vld.idx.msk [tilespmem:v10+s21+$0x0], $0xffff  }
0xc8: {  	vm1 =	vne.s32 v2, $0x0;
	v16 =	vld.idx.msk [tilespmem:v3+s4+$0x0], $0xffff  }
0xc9: {  	vm2 =	vne.s32 v5, $0xFFFFFFFF;
	v3 =	vld.idx.msk [tilespmem:v11+s4+$0x0], $0xffff  }
.Ltmp0:
0xca: {  	vm1 =	vmand vm1, vm2;
	vm2 =	vne.s32 v6, $0x0;
	v4 =	vld.idx.msk [tilespmem:v12+s21+$0x0], $0xffff;
	(pc) =	sbr.rel @p0 .LBB2_2-.Ltmp0, $4  }
0xcb: {  	v5 =	vsel vm1, $0x1, v1;
	vm1 =	vne.s32 v7, $0xFFFFFFFF;
	v2 =	vld.idx.msk [tilespmem:v13+s4+$0x0], $0xffff  }
0xcc: {  	vm1 =	vmand vm2, vm1;
	vm2 =	vne.s32 v9, $0x0;
	[tilespmem:s1+$0xFFFFFFD0] =	vst v5;
	v5 =	vld.idx.msk [tilespmem:v14+s21+$0x0], $0xffff  }
0xcd: {  	v7 =	vsel vm1, $0x1, v1;
	vm3 =	vne.s32 v10, $0xFFFFFFFF;
	v6 =	vld.idx.msk [tilespmem:v15+s4+$0x0], $0xffff  }
0xce: {  	s3 =	sadd.s32 $0x80, s3;
	vm1 =	vne.s32 v16, $0x0;
	vm2 =	vmand vm2, vm3;
	[tilespmem:s1+$0xFFFFFFE0] =	vst v7;
	v7 =	vld.idx.msk [tilespmem:v8+s21+$0x0], $0xffff  }
0xcf: {  	_ = 	snop  }
0xd0: {  	vm0 =	vmand vm1, vm0;
	vm9 =	vne.s32 v3, $0x0;
	vm3 =	vne.s32 v4, $0xFFFFFFFF  }
0xd1: {  	v3 =	vsel vm2, $0x1, v1;
	v63 =	vsel vm0, $0x1, v1;
	vm10 =	vmand vm9, vm3  }
0xd2: {  	[tilespmem:s1+$0xFFFFFFF0] =	vst v3;
	vm11 =	vne.s32 v2, $0x0;
	v2 =	vsel vm10, $0x1, v1;
	vm12 =	vne.s32 v5, $0xFFFFFFFF  }
0xd3: {  	[tilespmem:s1+$0xFFFFFFC0] =	vst v63;
	vm0 =	vmand vm11, vm12;
	vm13 =	vne.s32 v6, $0x0;
	vm14 =	vne.s32 v7, $0xFFFFFFFF  }
0xd4: {  	s30 =	sadd.s32 $0x1, s30;
	[tilespmem:s1+$0x0] =	vst v2;
	v2 =	vsel vm0, $0x1, v1;
	vm15 =	vmand vm13, vm14  }
0xd5: {  	p0 =	sne.s32 s30, s12;
	[tilespmem:s1+$0x10] =	vst v2;
	v2 =	vsel vm15, $0x1, v1  }
.Ltmp1:
0xd6: {  	[tilespmem:s1+$0x20] =	vst v2;
	(pc) =	sbr.rel @p0 .LBB2_1-.Ltmp1, $4  }
0xd7: {  	[hbm4b:s11+s4] =	stream.linear.scatter [tilespmem:s28], [sflag:$0x4], $0x4000, $0x38;
	[tilespmem:$0x1D880] =	vst v63  }
0xd8: {  	_ =	swait.ge [sflag:s29], $0x4000  }
0xd9: {  	[sflag:s29] =	ssyncset.done $0x0  }
0xda: {  	[sflag:s29] =	ssyncadd.s32 $0xFFFFC000  }
0xdb: {  	_ =	sfence.sel $0x180000  }
0xdc: {  	[bflag:$0x0] =	sbarrier.arrive $0xFFFF  }
0xdd: {  	_ =	strace $0x90000047  }
0xde: {  	s0 =	stileid.u32;
	[bflag:$0x2] =	sbarrier.arrive $0xFFFF  }
0xdf: {  	p0 =	sne.s32 s0, $0x0;
	s0 =	rddreg [dreg:$0x7]  }
0xe0: {  	s0 =	sadd.s32 @!p0 $0x100000, s0  }
0xe1: {  	[sflag:s0] =	ssyncadd.tile.s32 @!p0 $0x1;
	_ =	shalt  }
.Lfunc_end2:
_tile_overlayer_lowered:
.L_overlay_start_2:
0xe2: {  	(tag) =	ssettag $0x2  }
0xe3: {  	s0 =	rddreg [dreg:$0x0];
	s2 =	stileid.u32  }
0xe4: {  	s1 =	rddreg [dreg:$0x1];
	p0 =	sne.s32 s2, $0x0  }
0xe5: {  	s3 =	rddreg [dreg:$0x2];
	[bflag:$0x3] =	sbarrier.arrive $0xFFFF;
	s2 =	simm.s32 @!p0 $0x1C04  }
0xe6: {  	[timem:s3], [sflag:s2] =	dma.local @!p0 [hbm:s0], s1  }
0xe7: {  	s0 =	simm.s32 @!p0 $0x4  }
0xe8: {  	_ =	swait.ge @!p0 [sflag:s0], s1  }
0xe9: {  	s1 =	ssub.s32 @!p0 $0x0, s1;
	[sflag:s0] =	ssyncset.done @!p0 $0x0  }
0xea: {  	[sflag:s0] =	ssyncadd.s32 @!p0 s1  }
0xeb: {  	[bflag:$0x3] =	sbarrier.arrive $0xFFFF  }
0xec: {  	_ =	shalt  }

</sc_bundles>
